<compile_context>
chip_gen: v7x
topology: tpu7x:2x2x1
jax: 0.10.2.dev20260603
libtpu: 0.0.44.dev20260713+nightly
codegen_flags: <defaults>
</compile_context>

<pallas_src>
import functools

import jax
import jax.numpy as jnp
from jax import lax
from jax.experimental import pallas as pl
from jax.experimental.pallas import tpu as pltpu
from jax.experimental.pallas import tpu_sc as plsc

K = 1024
D = 32
N_ROWS = 8 * 56 * 56
ROW_TILE = 256

_NC, _NS = 2, 16
_NW = _NC * _NS
_BPW = N_ROWS // _NW


def _conv_nhwc(x, w_oihw, b, stride, pad):
    w = jnp.transpose(w_oihw, (2, 3, 1, 0))
    y = lax.conv_general_dilated(x, w, (stride, stride), [(pad, pad), (pad, pad)],
                                 dimension_numbers=('NHWC', 'HWIO', 'NHWC'))
    return y + b[None, None, None, :]


def _conv_transpose_nhwc(x, w_iohw, b, stride, pad):
    k = w_iohw.shape[2]
    w = jnp.transpose(jnp.flip(w_iohw, axis=(2, 3)), (2, 3, 0, 1))
    p = k - 1 - pad
    y = lax.conv_general_dilated(x, w, (1, 1), [(p, p), (p, p)],
                                 lhs_dilation=(stride, stride),
                                 dimension_numbers=('NHWC', 'HWIO', 'NHWC'))
    return y + b[None, None, None, :]


def _vq_argmin_body(z_ref, cbt2_ref, cbsq_ref, idx_ref, vqsum_ref):
    i = pl.program_id(0)
    z = z_ref[...]
    cbt2 = cbt2_ref[...]
    d2 = cbsq_ref[...] + lax.dot_general(
        z.astype(jnp.bfloat16), cbt2, (((1,), (0,)), ((), ())),
        preferred_element_type=jnp.float32)
    minv = jnp.min(d2, axis=1, keepdims=True)
    kio = lax.broadcasted_iota(jnp.int32, d2.shape, 1)
    idx = jnp.min(jnp.where(d2 <= minv, kio, jnp.int32(K)), axis=1, keepdims=True)
    idx_ref[...] = idx.reshape(1, ROW_TILE // 128, 128)
    zsq = jnp.sum(z * z, axis=1, keepdims=True)
    tile_sum = jnp.sum(jnp.maximum(minv + zsq, 0.0))

    @pl.when(i == 0)
    def _init():
        vqsum_ref[0, 0] = 0.0

    vqsum_ref[0, 0] += tile_sum


def _vq_argmin(z_flat, codebook_t2, cbsq):
    n = z_flat.shape[0]
    grid = n // ROW_TILE
    return pl.pallas_call(
        _vq_argmin_body,
        grid=(grid,),
        in_specs=[
            pl.BlockSpec((ROW_TILE, D), lambda i: (i, 0)),
            pl.BlockSpec((D, K), lambda i: (0, 0)),
            pl.BlockSpec((1, K), lambda i: (0, 0)),
        ],
        out_specs=[
            pl.BlockSpec((1, ROW_TILE // 128, 128), lambda i: (i, 0, 0)),
            pl.BlockSpec(memory_space=pltpu.SMEM, block_shape=(1, 1),
                         index_map=lambda i: (0, 0)),
        ],
        out_shape=[
            jax.ShapeDtypeStruct((n // ROW_TILE, ROW_TILE // 128, 128), jnp.int32),
            jax.ShapeDtypeStruct((1, 1), jnp.float32),
        ],
        compiler_params=pltpu.CompilerParams(
            dimension_semantics=("arbitrary",)),
    )(z_flat, codebook_t2, cbsq)


_CHUNK = 112


@functools.cache
def _sc_gather_fn(n_rows):
    bpw = n_rows // _NW
    nch = bpw // _CHUNK

    @functools.partial(
        pl.kernel,
        mesh=plsc.VectorSubcoreMesh(core_axis_name="c", subcore_axis_name="s"),
        out_type=jax.ShapeDtypeStruct((n_rows, D), jnp.float32),
        scratch_types=[
            pltpu.VMEM((bpw,), jnp.int32),
            pltpu.VMEM((bpw, D), jnp.float32),
            pltpu.SemaphoreType.DMA,
            pltpu.SemaphoreType.DMA,
        ],
        compiler_params=pltpu.CompilerParams(use_tc_tiling_on_sc=False),
    )
    def _sc_gather(table_hbm, idx_hbm, out_hbm, idx_v, rows_v, gsem, wsem):
        wid = lax.axis_index("s") * _NC + lax.axis_index("c")
        base = wid * bpw
        pltpu.sync_copy(idx_hbm.at[pl.ds(base, bpw)], idx_v)
        gets = [pltpu.async_copy(
            table_hbm.at[idx_v.at[pl.ds(j * _CHUNK, _CHUNK)]],
            rows_v.at[pl.ds(j * _CHUNK, _CHUNK)], gsem) for j in range(nch)]
        puts = []
        for j in range(nch):
            gets[j].wait()
            puts.append(pltpu.async_copy(
                rows_v.at[pl.ds(j * _CHUNK, _CHUNK)],
                out_hbm.at[pl.ds(base + j * _CHUNK, _CHUNK)], wsem))
        for cp in puts:
            cp.wait()

    return _sc_gather


def kernel(x, enc_w1, enc_b1, enc_w2, enc_b2, enc_w3, enc_b3, codebook,
           dec_w1, dec_b1, dec_w2, dec_b2, dec_w3, dec_b3):
    xh = x.reshape(8, 1, 224, 224).transpose(0, 2, 3, 1)
    h = jax.nn.relu(_conv_nhwc(xh, enc_w1, enc_b1, 2, 1))
    h = jax.nn.relu(_conv_nhwc(h, enc_w2, enc_b2, 2, 1))
    z = _conv_nhwc(h, enc_w3, enc_b3, 1, 1)
    z_flat = z.reshape(-1, D)

    cbt2 = (-2.0 * codebook).T.astype(jnp.bfloat16)
    cbsq = jnp.sum(codebook * codebook, axis=1)[None, :]
    idx2, vq_sum = _vq_argmin(z_flat, cbt2, cbsq)
    vq_loss = vq_sum[0, 0] / (N_ROWS * D)
    z_q_flat = _sc_gather_fn(N_ROWS)(codebook, idx2.reshape(-1))

    zq_st = (z_flat + lax.stop_gradient(z_q_flat - z_flat)).reshape(8, 56, 56, D)
    d = jax.nn.relu(_conv_transpose_nhwc(zq_st, dec_w1, dec_b1, 1, 1))
    d = jax.nn.relu(_conv_transpose_nhwc(d, dec_w2, dec_b2, 2, 1))
    xr = jax.nn.sigmoid(_conv_transpose_nhwc(d, dec_w3, dec_b3, 2, 1))
    recon_loss = jnp.mean((xr - xh) ** 2)
    x_recon = xr.transpose(0, 3, 1, 2)
    return (x_recon, recon_loss, vq_loss)

# --- scband reference (transcript-rebuilt; emitter-appended) ---
"""Pipeline reference for scband-vqvae-35854386987356 (READ-ONLY COPY).

The authoritative reference and input builder live on the scoring server;
editing this copy changes nothing except your own understanding.
"""

import jax, jax.numpy as jnp
import numpy as np


def conv2d(x, w, b, stride, pad):
    y = jax.lax.conv_general_dilated(x, w, (stride, stride), [(pad, pad), (pad, pad)],
                                     dimension_numbers=('NCHW', 'OIHW', 'NCHW'))
    return y + b[None, :, None, None]


def conv_transpose2d(x, w, b, stride, pad):
    # w is in PyTorch ConvTranspose2d layout: (in_ch, out_ch, kH, kW)
    k = w.shape[2]
    w_c = jnp.flip(w, axis=(2, 3)).transpose(1, 0, 2, 3)  # -> (out, in, kH, kW)
    p = k - 1 - pad
    y = jax.lax.conv_general_dilated(x, w_c, (1, 1), [(p, p), (p, p)],
                                     lhs_dilation=(stride, stride),
                                     dimension_numbers=('NCHW', 'OIHW', 'NCHW'))
    return y + b[None, :, None, None]


def setup_inputs(seed: int = 0):
    key = jax.random.key(seed)
    ks = jax.random.split(key, 16)
    K, D = 1024, 32

    def w(k, shape, fan_in):
        bound = 1.0 / np.sqrt(fan_in)
        return jax.random.uniform(k, shape, jnp.float32, -bound, bound)

    x = jax.random.uniform(ks[0], (8, 1, 224, 224), dtype=jnp.float32)
    return {
        'x': x,
        'enc_w1': w(ks[1], (32, 1, 4, 4), 1 * 16), 'enc_b1': w(ks[2], (32,), 16),
        'enc_w2': w(ks[3], (64, 32, 4, 4), 32 * 16), 'enc_b2': w(ks[4], (64,), 512),
        'enc_w3': w(ks[5], (D, 64, 3, 3), 64 * 9), 'enc_b3': w(ks[6], (D,), 576),
        'codebook': jax.random.uniform(ks[7], (K, D), jnp.float32, -1.0 / K, 1.0 / K),
        'dec_w1': w(ks[8], (D, 64, 3, 3), D * 9), 'dec_b1': w(ks[9], (64,), D * 9),
        'dec_w2': w(ks[10], (64, 32, 4, 4), 64 * 16), 'dec_b2': w(ks[11], (32,), 1024),
        'dec_w3': w(ks[12], (32, 1, 4, 4), 32 * 16), 'dec_b3': w(ks[13], (1,), 512),
    }


def reference(x, enc_w1, enc_b1, enc_w2, enc_b2, enc_w3, enc_b3, codebook,
              dec_w1, dec_b1, dec_w2, dec_b2, dec_w3, dec_b3):
    # encoder
    h = jax.nn.relu(conv2d(x, enc_w1, enc_b1, 2, 1))
    h = jax.nn.relu(conv2d(h, enc_w2, enc_b2, 2, 1))
    z = conv2d(h, enc_w3, enc_b3, 1, 1)
    # quantize
    B, D, H, W = z.shape
    z_flat = jnp.transpose(z, (0, 2, 3, 1)).reshape(-1, D)
    d2 = (jnp.sum(z_flat ** 2, axis=1, keepdims=True)
          + jnp.sum(codebook ** 2, axis=1)[None, :]
          - 2.0 * z_flat @ codebook.T)
    dist = jnp.sqrt(jnp.maximum(d2, 0.0))  # cdist (euclidean)
    indices = jnp.argmin(dist, axis=1)
    z_q_flat = jnp.take(codebook, indices, axis=0)
    z_q = jnp.transpose(z_q_flat.reshape(B, H, W, D), (0, 3, 1, 2))
    vq_loss = jnp.mean((z - z_q) ** 2)
    z_q = z + jax.lax.stop_gradient(z_q - z)  # straight-through
    # decoder
    d = jax.nn.relu(conv_transpose2d(z_q, dec_w1, dec_b1, 1, 1))
    d = jax.nn.relu(conv_transpose2d(d, dec_w2, dec_b2, 2, 1))
    x_recon = jax.nn.sigmoid(conv_transpose2d(d, dec_w3, dec_b3, 2, 1))
    recon_loss = jnp.mean((x_recon - x) ** 2)
    return (x_recon, recon_loss, vq_loss)

if __name__ == "__main__":
    import jax
    _d = setup_inputs()
    print(jax.jit(kernel)(*tuple(_d.values())))

</pallas_src>

<mosaic_0001>
#map = affine_map<(d0, d1) -> (0, 0)>
#map1 = affine_map<(d0, d1) -> (0)>
module attributes {stable_mosaic.version = 14 : i64} {
  func.func @_sc_gather(%arg0: i32, %arg1: i32, %arg2: memref<1024x32xf32, #tpu.memory_space<hbm>>, %arg3: memref<25088xi32, #tpu.memory_space<hbm>>, %arg4: memref<25088x32xf32, #tpu.memory_space<hbm>>, %arg5: memref<784xi32, #tpu.memory_space<vmem>>, %arg6: memref<784x32xf32, #tpu.memory_space<vmem>>, %arg7: memref<!tpu.dma_semaphore, #tpu.memory_space<semaphore_mem>>, %arg8: memref<!tpu.dma_semaphore, #tpu.memory_space<semaphore_mem>>) attributes {dimension_semantics = [#tpu.dimension_semantics<core_parallel>, #tpu.dimension_semantics<subcore_parallel>], iteration_bounds = array<i64: 2, 16>, scalar_prefetch = 0 : i64, scratch_operands = 4 : i64, tpu.core_type = #tpu.core_type<sc_vector_subcore>, window_params = [{transform_indices = #map}, {transform_indices = #map1}, {transform_indices = #map}]} {
    %mul3A = arith.constant 2 : i32
    %mul3A_0 = arith.muli %arg1, %mul3A : i32
    %add3A = arith.addi %mul3A_0, %arg0 : i32
    %mul3A_1 = arith.constant 784 : i32
    %mul3A_2 = arith.muli %add3A, %mul3A_1 : i32
    "tpu.region"() ({
      %run_scoped3A = tpu.sem_alloc : memref<!tpu.dma_semaphore, #tpu.memory_space<semaphore_mem>>
      %dma_start3A_267 = tpu.memref_slice %arg3[%mul3A_2] : memref<25088xi32, #tpu.memory_space<hbm>> -> memref<784xi32, #tpu.memory_space<hbm>>
      %dma_start3A_268 = tpu.memref_slice %arg3[%mul3A_2] : memref<25088xi32, #tpu.memory_space<hbm>> -> memref<784xi32, #tpu.memory_space<hbm>>
      tpu.enqueue_dma source(%dma_start3A_268 : memref<784xi32, #tpu.memory_space<hbm>>) target(%arg5 : memref<784xi32, #tpu.memory_space<vmem>>) target_semaphore(%run_scoped3A : memref<!tpu.dma_semaphore, #tpu.memory_space<semaphore_mem>>)
      %dma_wait3A_269 = tpu.memref_slice %arg3[%mul3A_2] : memref<25088xi32, #tpu.memory_space<hbm>> -> memref<784xi32, #tpu.memory_space<hbm>>
      %dma_wait3A_270 = tpu.memref_slice %arg3[%mul3A_2] : memref<25088xi32, #tpu.memory_space<hbm>> -> memref<784xi32, #tpu.memory_space<hbm>>
      tpu.wait_dma2 semaphore(%run_scoped3A : memref<!tpu.dma_semaphore, #tpu.memory_space<semaphore_mem>>) src(%dma_wait3A_270 : memref<784xi32, #tpu.memory_space<hbm>>) dst(%arg5 : memref<784xi32, #tpu.memory_space<vmem>>)
      tpu.yield
    }) : () -> ()
    %dma_start3A = arith.constant 0 : i32
    %dma_start3A_3 = arith.constant 0 : i32
    %dma_start3A_4 = tpu.memref_slice %arg6[%dma_start3A, %dma_start3A_3] : memref<784x32xf32, #tpu.memory_space<vmem>> -> memref<112x32xf32, #tpu.memory_space<vmem>>
    %dma_start3A_5 = arith.constant 0 : i32
    %dma_start3A_6 = tpu.memref_slice %arg5[%dma_start3A_5] : memref<784xi32, #tpu.memory_space<vmem>> -> memref<112xi32, #tpu.memory_space<vmem>>
    %dma_start3A_7 = arith.constant 0 : i32
    %dma_start3A_8 = arith.constant 0 : i32
    %dma_start3A_9 = tpu.memref_slice %arg2[%dma_start3A_7, %dma_start3A_8] : memref<1024x32xf32, #tpu.memory_space<hbm>> -> memref<1024x32xf32, #tpu.memory_space<hbm>>
    tpu.enqueue_indirect_dma source(%dma_start3A_9 : memref<1024x32xf32, #tpu.memory_space<hbm>>) target(%dma_start3A_4 : memref<112x32xf32, #tpu.memory_space<vmem>>) offsets(%dma_start3A_6 : memref<112xi32, #tpu.memory_space<vmem>>) semaphore(%arg7 : memref<!tpu.dma_semaphore, #tpu.memory_space<semaphore_mem>>)
    %dma_start3A_10 = arith.constant 112 : i32
    %dma_start3A_11 = arith.constant 0 : i32
    %dma_start3A_12 = tpu.memref_slice %arg6[%dma_start3A_10, %dma_start3A_11] : memref<784x32xf32, #tpu.memory_space<vmem>> -> memref<112x32xf32, #tpu.memory_space<vmem>>
    %dma_start3A_13 = arith.constant 112 : i32
    %dma_start3A_14 = tpu.memref_slice %arg5[%dma_start3A_13] : memref<784xi32, #tpu.memory_space<vmem>> -> memref<112xi32, #tpu.memory_space<vmem>>
    %dma_start3A_15 = arith.constant 0 : i32
    %dma_start3A_16 = arith.constant 0 : i32
    %dma_start3A_17 = tpu.memref_slice %arg2[%dma_start3A_15, %dma_start3A_16] : memref<1024x32xf32, #tpu.memory_space<hbm>> -> memref<1024x32xf32, #tpu.memory_space<hbm>>
    tpu.enqueue_indirect_dma source(%dma_start3A_17 : memref<1024x32xf32, #tpu.memory_space<hbm>>) target(%dma_start3A_12 : memref<112x32xf32, #tpu.memory_space<vmem>>) offsets(%dma_start3A_14 : memref<112xi32, #tpu.memory_space<vmem>>) semaphore(%arg7 : memref<!tpu.dma_semaphore, #tpu.memory_space<semaphore_mem>>)
    %dma_start3A_18 = arith.constant 224 : i32
    %dma_start3A_19 = arith.constant 0 : i32
    %dma_start3A_20 = tpu.memref_slice %arg6[%dma_start3A_18, %dma_start3A_19] : memref<784x32xf32, #tpu.memory_space<vmem>> -> memref<112x32xf32, #tpu.memory_space<vmem>>
    %dma_start3A_21 = arith.constant 224 : i32
    %dma_start3A_22 = tpu.memref_slice %arg5[%dma_start3A_21] : memref<784xi32, #tpu.memory_space<vmem>> -> memref<112xi32, #tpu.memory_space<vmem>>
    %dma_start3A_23 = arith.constant 0 : i32
    %dma_start3A_24 = arith.constant 0 : i32
    %dma_start3A_25 = tpu.memref_slice %arg2[%dma_start3A_23, %dma_start3A_24] : memref<1024x32xf32, #tpu.memory_space<hbm>> -> memref<1024x32xf32, #tpu.memory_space<hbm>>
    tpu.enqueue_indirect_dma source(%dma_start3A_25 : memref<1024x32xf32, #tpu.memory_space<hbm>>) target(%dma_start3A_20 : memref<112x32xf32, #tpu.memory_space<vmem>>) offsets(%dma_start3A_22 : memref<112xi32, #tpu.memory_space<vmem>>) semaphore(%arg7 : memref<!tpu.dma_semaphore, #tpu.memory_space<semaphore_mem>>)
    %dma_start3A_26 = arith.constant 336 : i32
    %dma_start3A_27 = arith.constant 0 : i32
    %dma_start3A_28 = tpu.memref_slice %arg6[%dma_start3A_26, %dma_start3A_27] : memref<784x32xf32, #tpu.memory_space<vmem>> -> memref<112x32xf32, #tpu.memory_space<vmem>>
    %dma_start3A_29 = arith.constant 336 : i32
    %dma_start3A_30 = tpu.memref_slice %arg5[%dma_start3A_29] : memref<784xi32, #tpu.memory_space<vmem>> -> memref<112xi32, #tpu.memory_space<vmem>>
    %dma_start3A_31 = arith.constant 0 : i32
    %dma_start3A_32 = arith.constant 0 : i32
    %dma_start3A_33 = tpu.memref_slice %arg2[%dma_start3A_31, %dma_start3A_32] : memref<1024x32xf32, #tpu.memory_space<hbm>> -> memref<1024x32xf32, #tpu.memory_space<hbm>>
    tpu.enqueue_indirect_dma source(%dma_start3A_33 : memref<1024x32xf32, #tpu.memory_space<hbm>>) target(%dma_start3A_28 : memref<112x32xf32, #tpu.memory_space<vmem>>) offsets(%dma_start3A_30 : memref<112xi32, #tpu.memory_space<vmem>>) semaphore(%arg7 : memref<!tpu.dma_semaphore, #tpu.memory_space<semaphore_mem>>)
    %dma_start3A_34 = arith.constant 448 : i32
    %dma_start3A_35 = arith.constant 0 : i32
    %dma_start3A_36 = tpu.memref_slice %arg6[%dma_start3A_34, %dma_start3A_35] : memref<784x32xf32, #tpu.memory_space<vmem>> -> memref<112x32xf32, #tpu.memory_space<vmem>>
    %dma_start3A_37 = arith.constant 448 : i32
    %dma_start3A_38 = tpu.memref_slice %arg5[%dma_start3A_37] : memref<784xi32, #tpu.memory_space<vmem>> -> memref<112xi32, #tpu.memory_space<vmem>>
    %dma_start3A_39 = arith.constant 0 : i32
    %dma_start3A_40 = arith.constant 0 : i32
    %dma_start3A_41 = tpu.memref_slice %arg2[%dma_start3A_39, %dma_start3A_40] : memref<1024x32xf32, #tpu.memory_space<hbm>> -> memref<1024x32xf32, #tpu.memory_space<hbm>>
    tpu.enqueue_indirect_dma source(%dma_start3A_41 : memref<1024x32xf32, #tpu.memory_space<hbm>>) target(%dma_start3A_36 : memref<112x32xf32, #tpu.memory_space<vmem>>) offsets(%dma_start3A_38 : memref<112xi32, #tpu.memory_space<vmem>>) semaphore(%arg7 : memref<!tpu.dma_semaphore, #tpu.memory_space<semaphore_mem>>)
    %dma_start3A_42 = arith.constant 560 : i32
    %dma_start3A_43 = arith.constant 0 : i32
    %dma_start3A_44 = tpu.memref_slice %arg6[%dma_start3A_42, %dma_start3A_43] : memref<784x32xf32, #tpu.memory_space<vmem>> -> memref<112x32xf32, #tpu.memory_space<vmem>>
    %dma_start3A_45 = arith.constant 560 : i32
    %dma_start3A_46 = tpu.memref_slice %arg5[%dma_start3A_45] : memref<784xi32, #tpu.memory_space<vmem>> -> memref<112xi32, #tpu.memory_space<vmem>>
    %dma_start3A_47 = arith.constant 0 : i32
    %dma_start3A_48 = arith.constant 0 : i32
    %dma_start3A_49 = tpu.memref_slice %arg2[%dma_start3A_47, %dma_start3A_48] : memref<1024x32xf32, #tpu.memory_space<hbm>> -> memref<1024x32xf32, #tpu.memory_space<hbm>>
    tpu.enqueue_indirect_dma source(%dma_start3A_49 : memref<1024x32xf32, #tpu.memory_space<hbm>>) target(%dma_start3A_44 : memref<112x32xf32, #tpu.memory_space<vmem>>) offsets(%dma_start3A_46 : memref<112xi32, #tpu.memory_space<vmem>>) semaphore(%arg7 : memref<!tpu.dma_semaphore, #tpu.memory_space<semaphore_mem>>)
    %dma_start3A_50 = arith.constant 672 : i32
    %dma_start3A_51 = arith.constant 0 : i32
    %dma_start3A_52 = tpu.memref_slice %arg6[%dma_start3A_50, %dma_start3A_51] : memref<784x32xf32, #tpu.memory_space<vmem>> -> memref<112x32xf32, #tpu.memory_space<vmem>>
    %dma_start3A_53 = arith.constant 672 : i32
    %dma_start3A_54 = tpu.memref_slice %arg5[%dma_start3A_53] : memref<784xi32, #tpu.memory_space<vmem>> -> memref<112xi32, #tpu.memory_space<vmem>>
    %dma_start3A_55 = arith.constant 0 : i32
    %dma_start3A_56 = arith.constant 0 : i32
    %dma_start3A_57 = tpu.memref_slice %arg2[%dma_start3A_55, %dma_start3A_56] : memref<1024x32xf32, #tpu.memory_space<hbm>> -> memref<1024x32xf32, #tpu.memory_space<hbm>>
    tpu.enqueue_indirect_dma source(%dma_start3A_57 : memref<1024x32xf32, #tpu.memory_space<hbm>>) target(%dma_start3A_52 : memref<112x32xf32, #tpu.memory_space<vmem>>) offsets(%dma_start3A_54 : memref<112xi32, #tpu.memory_space<vmem>>) semaphore(%arg7 : memref<!tpu.dma_semaphore, #tpu.memory_space<semaphore_mem>>)
    %dma_wait3A = arith.constant 0 : i32
    %dma_wait3A_58 = arith.constant 0 : i32
    %dma_wait3A_59 = tpu.memref_slice %arg6[%dma_wait3A, %dma_wait3A_58] : memref<784x32xf32, #tpu.memory_space<vmem>> -> memref<112x32xf32, #tpu.memory_space<vmem>>
    %dma_wait3A_60 = arith.constant 0 : i32
    %dma_wait3A_61 = tpu.memref_slice %arg5[%dma_wait3A_60] : memref<784xi32, #tpu.memory_space<vmem>> -> memref<112xi32, #tpu.memory_space<vmem>>
    %dma_wait3A_62 = arith.constant 0 : i32
    %dma_wait3A_63 = arith.constant 0 : i32
    %dma_wait3A_64 = tpu.memref_slice %arg2[%dma_wait3A_62, %dma_wait3A_63] : memref<1024x32xf32, #tpu.memory_space<hbm>> -> memref<1024x32xf32, #tpu.memory_space<hbm>>
    tpu.wait_indirect_dma semaphore(%arg7 : memref<!tpu.dma_semaphore, #tpu.memory_space<semaphore_mem>>) src(%dma_wait3A_64 : memref<1024x32xf32, #tpu.memory_space<hbm>>) dst(%dma_wait3A_59 : memref<112x32xf32, #tpu.memory_space<vmem>>)
    %add3A_65 = arith.constant 0 : i32
    %add3A_66 = arith.addi %mul3A_2, %add3A_65 : i32
    %dma_start3A_67 = arith.constant 0 : i32
    %dma_start3A_68 = arith.constant 0 : i32
    %dma_start3A_69 = tpu.memref_slice %arg6[%dma_start3A_67, %dma_start3A_68] : memref<784x32xf32, #tpu.memory_space<vmem>> -> memref<112x32xf32, #tpu.memory_space<vmem>>
    %dma_start3A_70 = arith.constant 0 : i32
    %dma_start3A_71 = tpu.memref_slice %arg4[%add3A_66, %dma_start3A_70] : memref<25088x32xf32, #tpu.memory_space<hbm>> -> memref<112x32xf32, #tpu.memory_space<hbm>>
    %dma_start3A_72 = arith.constant 0 : i32
    %dma_start3A_73 = tpu.memref_slice %arg4[%add3A_66, %dma_start3A_72] : memref<25088x32xf32, #tpu.memory_space<hbm>> -> memref<112x32xf32, #tpu.memory_space<hbm>>
    %dma_start3A_74 = arith.constant 0 : i32
    %dma_start3A_75 = arith.constant 0 : i32
    %dma_start3A_76 = tpu.memref_slice %arg6[%dma_start3A_74, %dma_start3A_75] : memref<784x32xf32, #tpu.memory_space<vmem>> -> memref<112x32xf32, #tpu.memory_space<vmem>>
    tpu.enqueue_dma source(%dma_start3A_76 : memref<112x32xf32, #tpu.memory_space<vmem>>) target(%dma_start3A_73 : memref<112x32xf32, #tpu.memory_space<hbm>>) target_semaphore(%arg8 : memref<!tpu.dma_semaphore, #tpu.memory_space<semaphore_mem>>)
    %dma_wait3A_77 = arith.constant 112 : i32
    %dma_wait3A_78 = arith.constant 0 : i32
    %dma_wait3A_79 = tpu.memref_slice %arg6[%dma_wait3A_77, %dma_wait3A_78] : memref<784x32xf32, #tpu.memory_space<vmem>> -> memref<112x32xf32, #tpu.memory_space<vmem>>
    %dma_wait3A_80 = arith.constant 112 : i32
    %dma_wait3A_81 = tpu.memref_slice %arg5[%dma_wait3A_80] : memref<784xi32, #tpu.memory_space<vmem>> -> memref<112xi32, #tpu.memory_space<vmem>>
    %dma_wait3A_82 = arith.constant 0 : i32
    %dma_wait3A_83 = arith.constant 0 : i32
    %dma_wait3A_84 = tpu.memref_slice %arg2[%dma_wait3A_82, %dma_wait3A_83] : memref<1024x32xf32, #tpu.memory_space<hbm>> -> memref<1024x32xf32, #tpu.memory_space<hbm>>
    tpu.wait_indirect_dma semaphore(%arg7 : memref<!tpu.dma_semaphore, #tpu.memory_space<semaphore_mem>>) src(%dma_wait3A_84 : memref<1024x32xf32, #tpu.memory_space<hbm>>) dst(%dma_wait3A_79 : memref<112x32xf32, #tpu.memory_space<vmem>>)
    %add3A_85 = arith.constant 112 : i32
    %add3A_86 = arith.addi %mul3A_2, %add3A_85 : i32
    %dma_start3A_87 = arith.constant 112 : i32
    %dma_start3A_88 = arith.constant 0 : i32
    %dma_start3A_89 = tpu.memref_slice %arg6[%dma_start3A_87, %dma_start3A_88] : memref<784x32xf32, #tpu.memory_space<vmem>> -> memref<112x32xf32, #tpu.memory_space<vmem>>
    %dma_start3A_90 = arith.constant 0 : i32
    %dma_start3A_91 = tpu.memref_slice %arg4[%add3A_86, %dma_start3A_90] : memref<25088x32xf32, #tpu.memory_space<hbm>> -> memref<112x32xf32, #tpu.memory_space<hbm>>
    %dma_start3A_92 = arith.constant 0 : i32
    %dma_start3A_93 = tpu.memref_slice %arg4[%add3A_86, %dma_start3A_92] : memref<25088x32xf32, #tpu.memory_space<hbm>> -> memref<112x32xf32, #tpu.memory_space<hbm>>
    %dma_start3A_94 = arith.constant 112 : i32
    %dma_start3A_95 = arith.constant 0 : i32
    %dma_start3A_96 = tpu.memref_slice %arg6[%dma_start3A_94, %dma_start3A_95] : memref<784x32xf32, #tpu.memory_space<vmem>> -> memref<112x32xf32, #tpu.memory_space<vmem>>
    tpu.enqueue_dma source(%dma_start3A_96 : memref<112x32xf32, #tpu.memory_space<vmem>>) target(%dma_start3A_93 : memref<112x32xf32, #tpu.memory_space<hbm>>) target_semaphore(%arg8 : memref<!tpu.dma_semaphore, #tpu.memory_space<semaphore_mem>>)
    %dma_wait3A_97 = arith.constant 224 : i32
    %dma_wait3A_98 = arith.constant 0 : i32
    %dma_wait3A_99 = tpu.memref_slice %arg6[%dma_wait3A_97, %dma_wait3A_98] : memref<784x32xf32, #tpu.memory_space<vmem>> -> memref<112x32xf32, #tpu.memory_space<vmem>>
    %dma_wait3A_100 = arith.constant 224 : i32
    %dma_wait3A_101 = tpu.memref_slice %arg5[%dma_wait3A_100] : memref<784xi32, #tpu.memory_space<vmem>> -> memref<112xi32, #tpu.memory_space<vmem>>
    %dma_wait3A_102 = arith.constant 0 : i32
    %dma_wait3A_103 = arith.constant 0 : i32
    %dma_wait3A_104 = tpu.memref_slice %arg2[%dma_wait3A_102, %dma_wait3A_103] : memref<1024x32xf32, #tpu.memory_space<hbm>> -> memref<1024x32xf32, #tpu.memory_space<hbm>>
    tpu.wait_indirect_dma semaphore(%arg7 : memref<!tpu.dma_semaphore, #tpu.memory_space<semaphore_mem>>) src(%dma_wait3A_104 : memref<1024x32xf32, #tpu.memory_space<hbm>>) dst(%dma_wait3A_99 : memref<112x32xf32, #tpu.memory_space<vmem>>)
    %add3A_105 = arith.constant 224 : i32
    %add3A_106 = arith.addi %mul3A_2, %add3A_105 : i32
    %dma_start3A_107 = arith.constant 224 : i32
    %dma_start3A_108 = arith.constant 0 : i32
    %dma_start3A_109 = tpu.memref_slice %arg6[%dma_start3A_107, %dma_start3A_108] : memref<784x32xf32, #tpu.memory_space<vmem>> -> memref<112x32xf32, #tpu.memory_space<vmem>>
    %dma_start3A_110 = arith.constant 0 : i32
    %dma_start3A_111 = tpu.memref_slice %arg4[%add3A_106, %dma_start3A_110] : memref<25088x32xf32, #tpu.memory_space<hbm>> -> memref<112x32xf32, #tpu.memory_space<hbm>>
    %dma_start3A_112 = arith.constant 0 : i32
    %dma_start3A_113 = tpu.memref_slice %arg4[%add3A_106, %dma_start3A_112] : memref<25088x32xf32, #tpu.memory_space<hbm>> -> memref<112x32xf32, #tpu.memory_space<hbm>>
    %dma_start3A_114 = arith.constant 224 : i32
    %dma_start3A_115 = arith.constant 0 : i32
    %dma_start3A_116 = tpu.memref_slice %arg6[%dma_start3A_114, %dma_start3A_115] : memref<784x32xf32, #tpu.memory_space<vmem>> -> memref<112x32xf32, #tpu.memory_space<vmem>>
    tpu.enqueue_dma source(%dma_start3A_116 : memref<112x32xf32, #tpu.memory_space<vmem>>) target(%dma_start3A_113 : memref<112x32xf32, #tpu.memory_space<hbm>>) target_semaphore(%arg8 : memref<!tpu.dma_semaphore, #tpu.memory_space<semaphore_mem>>)
    %dma_wait3A_117 = arith.constant 336 : i32
    %dma_wait3A_118 = arith.constant 0 : i32
    %dma_wait3A_119 = tpu.memref_slice %arg6[%dma_wait3A_117, %dma_wait3A_118] : memref<784x32xf32, #tpu.memory_space<vmem>> -> memref<112x32xf32, #tpu.memory_space<vmem>>
    %dma_wait3A_120 = arith.constant 336 : i32
    %dma_wait3A_121 = tpu.memref_slice %arg5[%dma_wait3A_120] : memref<784xi32, #tpu.memory_space<vmem>> -> memref<112xi32, #tpu.memory_space<vmem>>
    %dma_wait3A_122 = arith.constant 0 : i32
    %dma_wait3A_123 = arith.constant 0 : i32
    %dma_wait3A_124 = tpu.memref_slice %arg2[%dma_wait3A_122, %dma_wait3A_123] : memref<1024x32xf32, #tpu.memory_space<hbm>> -> memref<1024x32xf32, #tpu.memory_space<hbm>>
    tpu.wait_indirect_dma semaphore(%arg7 : memref<!tpu.dma_semaphore, #tpu.memory_space<semaphore_mem>>) src(%dma_wait3A_124 : memref<1024x32xf32, #tpu.memory_space<hbm>>) dst(%dma_wait3A_119 : memref<112x32xf32, #tpu.memory_space<vmem>>)
    %add3A_125 = arith.constant 336 : i32
    %add3A_126 = arith.addi %mul3A_2, %add3A_125 : i32
    %dma_start3A_127 = arith.constant 336 : i32
    %dma_start3A_128 = arith.constant 0 : i32
    %dma_start3A_129 = tpu.memref_slice %arg6[%dma_start3A_127, %dma_start3A_128] : memref<784x32xf32, #tpu.memory_space<vmem>> -> memref<112x32xf32, #tpu.memory_space<vmem>>
    %dma_start3A_130 = arith.constant 0 : i32
    %dma_start3A_131 = tpu.memref_slice %arg4[%add3A_126, %dma_start3A_130] : memref<25088x32xf32, #tpu.memory_space<hbm>> -> memref<112x32xf32, #tpu.memory_space<hbm>>
    %dma_start3A_132 = arith.constant 0 : i32
    %dma_start3A_133 = tpu.memref_slice %arg4[%add3A_126, %dma_start3A_132] : memref<25088x32xf32, #tpu.memory_space<hbm>> -> memref<112x32xf32, #tpu.memory_space<hbm>>
    %dma_start3A_134 = arith.constant 336 : i32
    %dma_start3A_135 = arith.constant 0 : i32
    %dma_start3A_136 = tpu.memref_slice %arg6[%dma_start3A_134, %dma_start3A_135] : memref<784x32xf32, #tpu.memory_space<vmem>> -> memref<112x32xf32, #tpu.memory_space<vmem>>
    tpu.enqueue_dma source(%dma_start3A_136 : memref<112x32xf32, #tpu.memory_space<vmem>>) target(%dma_start3A_133 : memref<112x32xf32, #tpu.memory_space<hbm>>) target_semaphore(%arg8 : memref<!tpu.dma_semaphore, #tpu.memory_space<semaphore_mem>>)
    %dma_wait3A_137 = arith.constant 448 : i32
    %dma_wait3A_138 = arith.constant 0 : i32
    %dma_wait3A_139 = tpu.memref_slice %arg6[%dma_wait3A_137, %dma_wait3A_138] : memref<784x32xf32, #tpu.memory_space<vmem>> -> memref<112x32xf32, #tpu.memory_space<vmem>>
    %dma_wait3A_140 = arith.constant 448 : i32
    %dma_wait3A_141 = tpu.memref_slice %arg5[%dma_wait3A_140] : memref<784xi32, #tpu.memory_space<vmem>> -> memref<112xi32, #tpu.memory_space<vmem>>
    %dma_wait3A_142 = arith.constant 0 : i32
    %dma_wait3A_143 = arith.constant 0 : i32
    %dma_wait3A_144 = tpu.memref_slice %arg2[%dma_wait3A_142, %dma_wait3A_143] : memref<1024x32xf32, #tpu.memory_space<hbm>> -> memref<1024x32xf32, #tpu.memory_space<hbm>>
    tpu.wait_indirect_dma semaphore(%arg7 : memref<!tpu.dma_semaphore, #tpu.memory_space<semaphore_mem>>) src(%dma_wait3A_144 : memref<1024x32xf32, #tpu.memory_space<hbm>>) dst(%dma_wait3A_139 : memref<112x32xf32, #tpu.memory_space<vmem>>)
    %add3A_145 = arith.constant 448 : i32
    %add3A_146 = arith.addi %mul3A_2, %add3A_145 : i32
    %dma_start3A_147 = arith.constant 448 : i32
    %dma_start3A_148 = arith.constant 0 : i32
    %dma_start3A_149 = tpu.memref_slice %arg6[%dma_start3A_147, %dma_start3A_148] : memref<784x32xf32, #tpu.memory_space<vmem>> -> memref<112x32xf32, #tpu.memory_space<vmem>>
    %dma_start3A_150 = arith.constant 0 : i32
    %dma_start3A_151 = tpu.memref_slice %arg4[%add3A_146, %dma_start3A_150] : memref<25088x32xf32, #tpu.memory_space<hbm>> -> memref<112x32xf32, #tpu.memory_space<hbm>>
    %dma_start3A_152 = arith.constant 0 : i32
    %dma_start3A_153 = tpu.memref_slice %arg4[%add3A_146, %dma_start3A_152] : memref<25088x32xf32, #tpu.memory_space<hbm>> -> memref<112x32xf32, #tpu.memory_space<hbm>>
    %dma_start3A_154 = arith.constant 448 : i32
    %dma_start3A_155 = arith.constant 0 : i32
    %dma_start3A_156 = tpu.memref_slice %arg6[%dma_start3A_154, %dma_start3A_155] : memref<784x32xf32, #tpu.memory_space<vmem>> -> memref<112x32xf32, #tpu.memory_space<vmem>>
    tpu.enqueue_dma source(%dma_start3A_156 : memref<112x32xf32, #tpu.memory_space<vmem>>) target(%dma_start3A_153 : memref<112x32xf32, #tpu.memory_space<hbm>>) target_semaphore(%arg8 : memref<!tpu.dma_semaphore, #tpu.memory_space<semaphore_mem>>)
    %dma_wait3A_157 = arith.constant 560 : i32
    %dma_wait3A_158 = arith.constant 0 : i32
    %dma_wait3A_159 = tpu.memref_slice %arg6[%dma_wait3A_157, %dma_wait3A_158] : memref<784x32xf32, #tpu.memory_space<vmem>> -> memref<112x32xf32, #tpu.memory_space<vmem>>
    %dma_wait3A_160 = arith.constant 560 : i32
    %dma_wait3A_161 = tpu.memref_slice %arg5[%dma_wait3A_160] : memref<784xi32, #tpu.memory_space<vmem>> -> memref<112xi32, #tpu.memory_space<vmem>>
    %dma_wait3A_162 = arith.constant 0 : i32
    %dma_wait3A_163 = arith.constant 0 : i32
    %dma_wait3A_164 = tpu.memref_slice %arg2[%dma_wait3A_162, %dma_wait3A_163] : memref<1024x32xf32, #tpu.memory_space<hbm>> -> memref<1024x32xf32, #tpu.memory_space<hbm>>
    tpu.wait_indirect_dma semaphore(%arg7 : memref<!tpu.dma_semaphore, #tpu.memory_space<semaphore_mem>>) src(%dma_wait3A_164 : memref<1024x32xf32, #tpu.memory_space<hbm>>) dst(%dma_wait3A_159 : memref<112x32xf32, #tpu.memory_space<vmem>>)
    %add3A_165 = arith.constant 560 : i32
    %add3A_166 = arith.addi %mul3A_2, %add3A_165 : i32
    %dma_start3A_167 = arith.constant 560 : i32
    %dma_start3A_168 = arith.constant 0 : i32
    %dma_start3A_169 = tpu.memref_slice %arg6[%dma_start3A_167, %dma_start3A_168] : memref<784x32xf32, #tpu.memory_space<vmem>> -> memref<112x32xf32, #tpu.memory_space<vmem>>
    %dma_start3A_170 = arith.constant 0 : i32
    %dma_start3A_171 = tpu.memref_slice %arg4[%add3A_166, %dma_start3A_170] : memref<25088x32xf32, #tpu.memory_space<hbm>> -> memref<112x32xf32, #tpu.memory_space<hbm>>
    %dma_start3A_172 = arith.constant 0 : i32
    %dma_start3A_173 = tpu.memref_slice %arg4[%add3A_166, %dma_start3A_172] : memref<25088x32xf32, #tpu.memory_space<hbm>> -> memref<112x32xf32, #tpu.memory_space<hbm>>
    %dma_start3A_174 = arith.constant 560 : i32
    %dma_start3A_175 = arith.constant 0 : i32
    %dma_start3A_176 = tpu.memref_slice %arg6[%dma_start3A_174, %dma_start3A_175] : memref<784x32xf32, #tpu.memory_space<vmem>> -> memref<112x32xf32, #tpu.memory_space<vmem>>
    tpu.enqueue_dma source(%dma_start3A_176 : memref<112x32xf32, #tpu.memory_space<vmem>>) target(%dma_start3A_173 : memref<112x32xf32, #tpu.memory_space<hbm>>) target_semaphore(%arg8 : memref<!tpu.dma_semaphore, #tpu.memory_space<semaphore_mem>>)
    %dma_wait3A_177 = arith.constant 672 : i32
    %dma_wait3A_178 = arith.constant 0 : i32
    %dma_wait3A_179 = tpu.memref_slice %arg6[%dma_wait3A_177, %dma_wait3A_178] : memref<784x32xf32, #tpu.memory_space<vmem>> -> memref<112x32xf32, #tpu.memory_space<vmem>>
    %dma_wait3A_180 = arith.constant 672 : i32
    %dma_wait3A_181 = tpu.memref_slice %arg5[%dma_wait3A_180] : memref<784xi32, #tpu.memory_space<vmem>> -> memref<112xi32, #tpu.memory_space<vmem>>
    %dma_wait3A_182 = arith.constant 0 : i32
    %dma_wait3A_183 = arith.constant 0 : i32
    %dma_wait3A_184 = tpu.memref_slice %arg2[%dma_wait3A_182, %dma_wait3A_183] : memref<1024x32xf32, #tpu.memory_space<hbm>> -> memref<1024x32xf32, #tpu.memory_space<hbm>>
    tpu.wait_indirect_dma semaphore(%arg7 : memref<!tpu.dma_semaphore, #tpu.memory_space<semaphore_mem>>) src(%dma_wait3A_184 : memref<1024x32xf32, #tpu.memory_space<hbm>>) dst(%dma_wait3A_179 : memref<112x32xf32, #tpu.memory_space<vmem>>)
    %add3A_185 = arith.constant 672 : i32
    %add3A_186 = arith.addi %mul3A_2, %add3A_185 : i32
    %dma_start3A_187 = arith.constant 672 : i32
    %dma_start3A_188 = arith.constant 0 : i32
    %dma_start3A_189 = tpu.memref_slice %arg6[%dma_start3A_187, %dma_start3A_188] : memref<784x32xf32, #tpu.memory_space<vmem>> -> memref<112x32xf32, #tpu.memory_space<vmem>>
    %dma_start3A_190 = arith.constant 0 : i32
    %dma_start3A_191 = tpu.memref_slice %arg4[%add3A_186, %dma_start3A_190] : memref<25088x32xf32, #tpu.memory_space<hbm>> -> memref<112x32xf32, #tpu.memory_space<hbm>>
    %dma_start3A_192 = arith.constant 0 : i32
    %dma_start3A_193 = tpu.memref_slice %arg4[%add3A_186, %dma_start3A_192] : memref<25088x32xf32, #tpu.memory_space<hbm>> -> memref<112x32xf32, #tpu.memory_space<hbm>>
    %dma_start3A_194 = arith.constant 672 : i32
    %dma_start3A_195 = arith.constant 0 : i32
    %dma_start3A_196 = tpu.memref_slice %arg6[%dma_start3A_194, %dma_start3A_195] : memref<784x32xf32, #tpu.memory_space<vmem>> -> memref<112x32xf32, #tpu.memory_space<vmem>>
    tpu.enqueue_dma source(%dma_start3A_196 : memref<112x32xf32, #tpu.memory_space<vmem>>) target(%dma_start3A_193 : memref<112x32xf32, #tpu.memory_space<hbm>>) target_semaphore(%arg8 : memref<!tpu.dma_semaphore, #tpu.memory_space<semaphore_mem>>)
    %dma_wait3A_197 = arith.constant 0 : i32
    %dma_wait3A_198 = arith.constant 0 : i32
    %dma_wait3A_199 = tpu.memref_slice %arg6[%dma_wait3A_197, %dma_wait3A_198] : memref<784x32xf32, #tpu.memory_space<vmem>> -> memref<112x32xf32, #tpu.memory_space<vmem>>
    %dma_wait3A_200 = arith.constant 0 : i32
    %dma_wait3A_201 = tpu.memref_slice %arg4[%add3A_66, %dma_wait3A_200] : memref<25088x32xf32, #tpu.memory_space<hbm>> -> memref<112x32xf32, #tpu.memory_space<hbm>>
    %dma_wait3A_202 = arith.constant 0 : i32
    %dma_wait3A_203 = tpu.memref_slice %arg4[%add3A_66, %dma_wait3A_202] : memref<25088x32xf32, #tpu.memory_space<hbm>> -> memref<112x32xf32, #tpu.memory_space<hbm>>
    %dma_wait3A_204 = arith.constant 0 : i32
    %dma_wait3A_205 = arith.constant 0 : i32
    %dma_wait3A_206 = tpu.memref_slice %arg6[%dma_wait3A_204, %dma_wait3A_205] : memref<784x32xf32, #tpu.memory_space<vmem>> -> memref<112x32xf32, #tpu.memory_space<vmem>>
    tpu.wait_dma2 semaphore(%arg8 : memref<!tpu.dma_semaphore, #tpu.memory_space<semaphore_mem>>) src(%dma_wait3A_206 : memref<112x32xf32, #tpu.memory_space<vmem>>) dst(%dma_wait3A_203 : memref<112x32xf32, #tpu.memory_space<hbm>>)
    %dma_wait3A_207 = arith.constant 112 : i32
    %dma_wait3A_208 = arith.constant 0 : i32
    %dma_wait3A_209 = tpu.memref_slice %arg6[%dma_wait3A_207, %dma_wait3A_208] : memref<784x32xf32, #tpu.memory_space<vmem>> -> memref<112x32xf32, #tpu.memory_space<vmem>>
    %dma_wait3A_210 = arith.constant 0 : i32
    %dma_wait3A_211 = tpu.memref_slice %arg4[%add3A_86, %dma_wait3A_210] : memref<25088x32xf32, #tpu.memory_space<hbm>> -> memref<112x32xf32, #tpu.memory_space<hbm>>
    %dma_wait3A_212 = arith.constant 0 : i32
    %dma_wait3A_213 = tpu.memref_slice %arg4[%add3A_86, %dma_wait3A_212] : memref<25088x32xf32, #tpu.memory_space<hbm>> -> memref<112x32xf32, #tpu.memory_space<hbm>>
    %dma_wait3A_214 = arith.constant 112 : i32
    %dma_wait3A_215 = arith.constant 0 : i32
    %dma_wait3A_216 = tpu.memref_slice %arg6[%dma_wait3A_214, %dma_wait3A_215] : memref<784x32xf32, #tpu.memory_space<vmem>> -> memref<112x32xf32, #tpu.memory_space<vmem>>
    tpu.wait_dma2 semaphore(%arg8 : memref<!tpu.dma_semaphore, #tpu.memory_space<semaphore_mem>>) src(%dma_wait3A_216 : memref<112x32xf32, #tpu.memory_space<vmem>>) dst(%dma_wait3A_213 : memref<112x32xf32, #tpu.memory_space<hbm>>)
    %dma_wait3A_217 = arith.constant 224 : i32
    %dma_wait3A_218 = arith.constant 0 : i32
    %dma_wait3A_219 = tpu.memref_slice %arg6[%dma_wait3A_217, %dma_wait3A_218] : memref<784x32xf32, #tpu.memory_space<vmem>> -> memref<112x32xf32, #tpu.memory_space<vmem>>
    %dma_wait3A_220 = arith.constant 0 : i32
    %dma_wait3A_221 = tpu.memref_slice %arg4[%add3A_106, %dma_wait3A_220] : memref<25088x32xf32, #tpu.memory_space<hbm>> -> memref<112x32xf32, #tpu.memory_space<hbm>>
    %dma_wait3A_222 = arith.constant 0 : i32
    %dma_wait3A_223 = tpu.memref_slice %arg4[%add3A_106, %dma_wait3A_222] : memref<25088x32xf32, #tpu.memory_space<hbm>> -> memref<112x32xf32, #tpu.memory_space<hbm>>
    %dma_wait3A_224 = arith.constant 224 : i32
    %dma_wait3A_225 = arith.constant 0 : i32
    %dma_wait3A_226 = tpu.memref_slice %arg6[%dma_wait3A_224, %dma_wait3A_225] : memref<784x32xf32, #tpu.memory_space<vmem>> -> memref<112x32xf32, #tpu.memory_space<vmem>>
    tpu.wait_dma2 semaphore(%arg8 : memref<!tpu.dma_semaphore, #tpu.memory_space<semaphore_mem>>) src(%dma_wait3A_226 : memref<112x32xf32, #tpu.memory_space<vmem>>) dst(%dma_wait3A_223 : memref<112x32xf32, #tpu.memory_space<hbm>>)
    %dma_wait3A_227 = arith.constant 336 : i32
    %dma_wait3A_228 = arith.constant 0 : i32
    %dma_wait3A_229 = tpu.memref_slice %arg6[%dma_wait3A_227, %dma_wait3A_228] : memref<784x32xf32, #tpu.memory_space<vmem>> -> memref<112x32xf32, #tpu.memory_space<vmem>>
    %dma_wait3A_230 = arith.constant 0 : i32
    %dma_wait3A_231 = tpu.memref_slice %arg4[%add3A_126, %dma_wait3A_230] : memref<25088x32xf32, #tpu.memory_space<hbm>> -> memref<112x32xf32, #tpu.memory_space<hbm>>
    %dma_wait3A_232 = arith.constant 0 : i32
    %dma_wait3A_233 = tpu.memref_slice %arg4[%add3A_126, %dma_wait3A_232] : memref<25088x32xf32, #tpu.memory_space<hbm>> -> memref<112x32xf32, #tpu.memory_space<hbm>>
    %dma_wait3A_234 = arith.constant 336 : i32
    %dma_wait3A_235 = arith.constant 0 : i32
    %dma_wait3A_236 = tpu.memref_slice %arg6[%dma_wait3A_234, %dma_wait3A_235] : memref<784x32xf32, #tpu.memory_space<vmem>> -> memref<112x32xf32, #tpu.memory_space<vmem>>
    tpu.wait_dma2 semaphore(%arg8 : memref<!tpu.dma_semaphore, #tpu.memory_space<semaphore_mem>>) src(%dma_wait3A_236 : memref<112x32xf32, #tpu.memory_space<vmem>>) dst(%dma_wait3A_233 : memref<112x32xf32, #tpu.memory_space<hbm>>)
    %dma_wait3A_237 = arith.constant 448 : i32
    %dma_wait3A_238 = arith.constant 0 : i32
    %dma_wait3A_239 = tpu.memref_slice %arg6[%dma_wait3A_237, %dma_wait3A_238] : memref<784x32xf32, #tpu.memory_space<vmem>> -> memref<112x32xf32, #tpu.memory_space<vmem>>
    %dma_wait3A_240 = arith.constant 0 : i32
    %dma_wait3A_241 = tpu.memref_slice %arg4[%add3A_146, %dma_wait3A_240] : memref<25088x32xf32, #tpu.memory_space<hbm>> -> memref<112x32xf32, #tpu.memory_space<hbm>>
    %dma_wait3A_242 = arith.constant 0 : i32
    %dma_wait3A_243 = tpu.memref_slice %arg4[%add3A_146, %dma_wait3A_242] : memref<25088x32xf32, #tpu.memory_space<hbm>> -> memref<112x32xf32, #tpu.memory_space<hbm>>
    %dma_wait3A_244 = arith.constant 448 : i32
    %dma_wait3A_245 = arith.constant 0 : i32
    %dma_wait3A_246 = tpu.memref_slice %arg6[%dma_wait3A_244, %dma_wait3A_245] : memref<784x32xf32, #tpu.memory_space<vmem>> -> memref<112x32xf32, #tpu.memory_space<vmem>>
    tpu.wait_dma2 semaphore(%arg8 : memref<!tpu.dma_semaphore, #tpu.memory_space<semaphore_mem>>) src(%dma_wait3A_246 : memref<112x32xf32, #tpu.memory_space<vmem>>) dst(%dma_wait3A_243 : memref<112x32xf32, #tpu.memory_space<hbm>>)
    %dma_wait3A_247 = arith.constant 560 : i32
    %dma_wait3A_248 = arith.constant 0 : i32
    %dma_wait3A_249 = tpu.memref_slice %arg6[%dma_wait3A_247, %dma_wait3A_248] : memref<784x32xf32, #tpu.memory_space<vmem>> -> memref<112x32xf32, #tpu.memory_space<vmem>>
    %dma_wait3A_250 = arith.constant 0 : i32
    %dma_wait3A_251 = tpu.memref_slice %arg4[%add3A_166, %dma_wait3A_250] : memref<25088x32xf32, #tpu.memory_space<hbm>> -> memref<112x32xf32, #tpu.memory_space<hbm>>
    %dma_wait3A_252 = arith.constant 0 : i32
    %dma_wait3A_253 = tpu.memref_slice %arg4[%add3A_166, %dma_wait3A_252] : memref<25088x32xf32, #tpu.memory_space<hbm>> -> memref<112x32xf32, #tpu.memory_space<hbm>>
    %dma_wait3A_254 = arith.constant 560 : i32
    %dma_wait3A_255 = arith.constant 0 : i32
    %dma_wait3A_256 = tpu.memref_slice %arg6[%dma_wait3A_254, %dma_wait3A_255] : memref<784x32xf32, #tpu.memory_space<vmem>> -> memref<112x32xf32, #tpu.memory_space<vmem>>
    tpu.wait_dma2 semaphore(%arg8 : memref<!tpu.dma_semaphore, #tpu.memory_space<semaphore_mem>>) src(%dma_wait3A_256 : memref<112x32xf32, #tpu.memory_space<vmem>>) dst(%dma_wait3A_253 : memref<112x32xf32, #tpu.memory_space<hbm>>)
    %dma_wait3A_257 = arith.constant 672 : i32
    %dma_wait3A_258 = arith.constant 0 : i32
    %dma_wait3A_259 = tpu.memref_slice %arg6[%dma_wait3A_257, %dma_wait3A_258] : memref<784x32xf32, #tpu.memory_space<vmem>> -> memref<112x32xf32, #tpu.memory_space<vmem>>
    %dma_wait3A_260 = arith.constant 0 : i32
    %dma_wait3A_261 = tpu.memref_slice %arg4[%add3A_186, %dma_wait3A_260] : memref<25088x32xf32, #tpu.memory_space<hbm>> -> memref<112x32xf32, #tpu.memory_space<hbm>>
    %dma_wait3A_262 = arith.constant 0 : i32
    %dma_wait3A_263 = tpu.memref_slice %arg4[%add3A_186, %dma_wait3A_262] : memref<25088x32xf32, #tpu.memory_space<hbm>> -> memref<112x32xf32, #tpu.memory_space<hbm>>
    %dma_wait3A_264 = arith.constant 672 : i32
    %dma_wait3A_265 = arith.constant 0 : i32
    %dma_wait3A_266 = tpu.memref_slice %arg6[%dma_wait3A_264, %dma_wait3A_265] : memref<784x32xf32, #tpu.memory_space<vmem>> -> memref<112x32xf32, #tpu.memory_space<vmem>>
    tpu.wait_dma2 semaphore(%arg8 : memref<!tpu.dma_semaphore, #tpu.memory_space<semaphore_mem>>) src(%dma_wait3A_266 : memref<112x32xf32, #tpu.memory_space<vmem>>) dst(%dma_wait3A_263 : memref<112x32xf32, #tpu.memory_space<hbm>>)
    return
  }
}

module attributes {stable_mosaic.version = 14 : i64} {
  func.func @_vq_argmin_body(%arg0: i32, %arg1: memref<256x32xf32, #tpu.memory_space<vmem>>, %arg2: memref<32x1024xbf16, #tpu.memory_space<vmem>>, %arg3: memref<1x1024xf32, #tpu.memory_space<vmem>>, %arg4: memref<1x2x128xi32, #tpu.memory_space<vmem>>, %arg5: memref<1x1xf32, #tpu.memory_space<smem>>) attributes {dimension_semantics = [#tpu.dimension_semantics<arbitrary>], iteration_bounds = array<i64: 98>, scalar_prefetch = 0 : i64, scratch_operands = 0 : i64, tpu.core_type = #tpu.core_type<tc>, window_params = [{transform_indices = @transform_0, window_bounds = array<i64: 256, 32>}, {pipeline_mode = #tpu.pipeline_mode<synchronous>, transform_indices = @transform_1, window_bounds = array<i64: 32, 1024>}, {pipeline_mode = #tpu.pipeline_mode<synchronous>, transform_indices = @transform_2, window_bounds = array<i64: 1, 1024>}, {transform_indices = @transform_3, window_bounds = array<i64: 1, 2, 128>}, {transform_indices = @transform_4, window_bounds = array<i64: 1, 1>}]} {
    %get3A = arith.constant 0 : index
    %get3A_0 = arith.constant 0 : index
    %get3A_1 = vector.load %arg1[%get3A, %get3A_0] : memref<256x32xf32, #tpu.memory_space<vmem>>, vector<256x32xf32>
    %get3A_2 = arith.constant 0 : index
    %get3A_3 = arith.constant 0 : index
    %get3A_4 = vector.load %arg2[%get3A_2, %get3A_3] : memref<32x1024xbf16, #tpu.memory_space<vmem>>, vector<32x1024xbf16>
    %get3A_5 = arith.constant 0 : index
    %get3A_6 = arith.constant 0 : index
    %get3A_7 = vector.load %arg3[%get3A_5, %get3A_6] : memref<1x1024xf32, #tpu.memory_space<vmem>>, vector<1x1024xf32>
    %convert_element_type3A = arith.truncf %get3A_1 : vector<256x32xf32> to vector<256x32xbf16>
    %dot_general3A = arith.constant dense<0.000000e+00> : vector<256x1024xf32>
    %dot_general3A_8 = tpu.matmul %convert_element_type3A, %get3A_4, %dot_general3A {dimension_numbers = #tpu.dot_dimension_numbers<[1], [0], [0], [1], [0, 0, 1, 1], [], []>, transpose_lhs_hint = false} : vector<256x32xbf16>, vector<32x1024xbf16>, vector<256x1024xf32> -> vector<256x1024xf32>
    %add3A = vector.broadcast %get3A_7 : vector<1x1024xf32> to vector<256x1024xf32>
    %add3A_9 = arith.addf %add3A, %dot_general3A_8 : vector<256x1024xf32>
    %reduce_min3A = arith.constant dense<0x7F800000> : vector<256xf32>
    %reduce_min3A_10 = vector.multi_reduction <minimumf>, %add3A_9, %reduce_min3A [1] : vector<256x1024xf32> to vector<256xf32>
    %broadcast_in_dim3A = vector.shape_cast %reduce_min3A_10 : vector<256xf32> to vector<256x1xf32>
    %iota3A = tpu.iota {dimensions = array<i32: 1>} : vector<256x1024xi32>
    %le3A = vector.broadcast %broadcast_in_dim3A : vector<256x1xf32> to vector<256x1024xf32>
    %le3A_11 = arith.cmpf ole, %add3A_9, %le3A : vector<256x1024xf32>
    %jit3A = arith.constant 1024 : i32
    %broadcast_in_dim3A_12 = vector.broadcast %jit3A : i32 to vector<256x1024xi32>
    %select_n3A = arith.select %le3A_11, %iota3A, %broadcast_in_dim3A_12 : vector<256x1024xi1>, vector<256x1024xi32>
    %reduce_min3A_13 = arith.constant dense<2147483647> : vector<256xi32>
    %reduce_min3A_14 = vector.multi_reduction <minsi>, %select_n3A, %reduce_min3A_13 [1] : vector<256x1024xi32> to vector<256xi32>
    %broadcast_in_dim3A_15 = vector.shape_cast %reduce_min3A_14 : vector<256xi32> to vector<256x1xi32>
    %reshape3A = vector.shape_cast %broadcast_in_dim3A_15 : vector<256x1xi32> to vector<1x2x128xi32>
    %swap3A = arith.constant 0 : index
    %swap3A_16 = arith.constant 0 : index
    %swap3A_17 = arith.constant 0 : index
    %swap3A_18 = vector.load %arg4[%swap3A, %swap3A_16, %swap3A_17] : memref<1x2x128xi32, #tpu.memory_space<vmem>>, vector<1x2x128xi32>
    tpu.vector_store %arg4[%swap3A, %swap3A_16, %swap3A_17], %reshape3A {strides = array<i32>} : memref<1x2x128xi32, #tpu.memory_space<vmem>>, vector<1x2x128xi32>,
    %mul3A = arith.mulf %get3A_1, %get3A_1 : vector<256x32xf32>
    %reduce_sum3A = arith.constant dense<0.000000e+00> : vector<256xf32>
    %reduce_sum3A_19 = vector.multi_reduction <add>, %mul3A, %reduce_sum3A [1] : vector<256x32xf32> to vector<256xf32>
    %broadcast_in_dim3A_20 = vector.shape_cast %reduce_sum3A_19 : vector<256xf32> to vector<256x1xf32>
    %add3A_21 = arith.addf %broadcast_in_dim3A, %broadcast_in_dim3A_20 : vector<256x1xf32>
    %max3A = arith.constant 0.000000e+00 : f32
    %max3A_22 = vector.broadcast %max3A : f32 to vector<256x1xf32>
    %max3A_23 = arith.maximumf %add3A_21, %max3A_22 : vector<256x1xf32>
    %reduce_sum3A_24 = vector.shape_cast %max3A_23 : vector<256x1xf32> to vector<1x256x1xf32>
    %reduce_sum3A_25 = arith.constant dense<0.000000e+00> : vector<1xf32>
    %reduce_sum3A_26 = vector.multi_reduction <add>, %reduce_sum3A_24, %reduce_sum3A_25 [1, 2] : vector<1x256x1xf32> to vector<1xf32>
    %reduce_sum3A_27 = vector.shape_cast %reduce_sum3A_26 : vector<1xf32> to vector<1x1x1xf32>
    %reduce_sum3A_28 = vector.extract %reduce_sum3A_27[0, 0, 0] : f32 from vector<1x1x1xf32>
    %eq3A = arith.constant 0 : i32
    %eq3A_29 = arith.cmpi eq, %arg0, %eq3A : i32
    %convert_element_type3A_30 = arith.extui %eq3A_29 : i1 to i32
    %cond3A = arith.constant 0 : i32
    %cond3A_31 = arith.cmpi ne, %convert_element_type3A_30, %cond3A : i32
    scf.if %cond3A_31 {
      %swap3A_39 = arith.constant 0.000000e+00 : f32
      %swap3A_40 = arith.constant 0 : index
      %swap3A_41 = arith.constant 0 : index
      %swap3A_42 = memref.load %arg5[%swap3A_40, %swap3A_41] : memref<1x1xf32, #tpu.memory_space<smem>>
      memref.store %swap3A_39, %arg5[%swap3A_40, %swap3A_41] : memref<1x1xf32, #tpu.memory_space<smem>>
    } else {
    }
    %get3A_32 = arith.constant 0 : index
    %get3A_33 = arith.constant 0 : index
    %get3A_34 = memref.load %arg5[%get3A_32, %get3A_33] : memref<1x1xf32, #tpu.memory_space<smem>>
    %add3A_35 = arith.addf %get3A_34, %reduce_sum3A_28 : f32
    %swap3A_36 = arith.constant 0 : index
    %swap3A_37 = arith.constant 0 : index
    %swap3A_38 = memref.load %arg5[%swap3A_36, %swap3A_37] : memref<1x1xf32, #tpu.memory_space<smem>>
    memref.store %add3A_35, %arg5[%swap3A_36, %swap3A_37] : memref<1x1xf32, #tpu.memory_space<smem>>
    return
  }
  func.func @transform_0(%arg0: i32) -> (i32, i32) {
    %c0_i32 = arith.constant 0 : i32
    %c0_i32_0 = arith.constant 0 : i32
    return %arg0, %c0_i32 : i32, i32
  }
  func.func @transform_1(%arg0: i32) -> (i32, i32) {
    %c0_i32 = arith.constant 0 : i32
    %c0_i32_0 = arith.constant 0 : i32
    %c0_i32_1 = arith.constant 0 : i32
    return %c0_i32, %c0_i32_0 : i32, i32
  }
  func.func @transform_2(%arg0: i32) -> (i32, i32) {
    %c0_i32 = arith.constant 0 : i32
    %c0_i32_0 = arith.constant 0 : i32
    %c0_i32_1 = arith.constant 0 : i32
    return %c0_i32, %c0_i32_0 : i32, i32
  }
  func.func @transform_3(%arg0: i32) -> (i32, i32, i32) {
    %c0_i32 = arith.constant 0 : i32
    %c0_i32_0 = arith.constant 0 : i32
    %c0_i32_1 = arith.constant 0 : i32
    return %arg0, %c0_i32, %c0_i32_0 : i32, i32, i32
  }
  func.func @transform_4(%arg0: i32) -> (i32, i32) {
    %c0_i32 = arith.constant 0 : i32
    %c0_i32_0 = arith.constant 0 : i32
    %c0_i32_1 = arith.constant 0 : i32
    return %c0_i32, %c0_i32_0 : i32, i32
  }
}

</mosaic_0001>

<sc_bundles>
// kernel: kernel.4.cloned.1.call-start
scs
__scs_entry_jumppad:
0x0: {  	(pc) =	sbr.rel $0x88, $3  }
0x1: {  	(tag) =	ssettag $0x0;
	lr =	simm.s32 $0x1  }
0x2: {  	[smem:$0x3F93] =	sst lr;
	_ =	strace $0xD0000000  }
0x3: {  	_ = 	snop  }
0x4: {  	_ = 	snop  }
0x5: {  	_ = 	snop  }
0x6: {  	_ = 	snop  }
0x7: {  	_ = 	snop  }
__scs_overlays_trampoline_lowered:
0x8: {  	[smem:$0x3FA2] =	sst s0  }
0x9: {  	[smem:$0x3FA3] =	sst s1  }
0xa: {  	[smem:$0x3FA4] =	sst s2  }
0xb: {  	[smem:$0x3FA5] =	sst s3  }
0xc: {  	[smem:$0x3FA6] =	sst s4  }
0xd: {  	[smem:$0x3FA7] =	sst s5  }
0xe: {  	[smem:$0x3FA8] =	sst s6  }
0xf: {  	[smem:$0x3FA9] =	sst s7  }
0x10: {  	[smem:$0x3FAA] =	sst s8  }
0x11: {  	[smem:$0x3FAB] =	sst s9;
	s0 =	simm.s32 @!p0 $0x0  }
0x12: {  	s1 =	sld [smem:$0x3F91];
	s0 =	simm.s32 @p0 $0x1  }
0x13: {  	[smem:$0x3FAC] =	sst s0;
	s0 =	simm.s32 @!p1 $0x0  }
0x14: {  	s2 =	sld [smem:$0x3F90];
	s0 =	simm.s32 @p1 $0x1  }
0x15: {  	[smem:$0x3FAD] =	sst s0;
	s0 =	simm.s32 @!p2 $0x0  }
0x16: {  	s3 =	sld [smem:$0x3FDB];
	s0 =	simm.s32 @p2 $0x1  }
0x17: {  	s4 =	simm.s32 $0x1BF5;
	[smem:$0x3FAF] =	sst s0  }
0x18: {  	s0 =	sld [smem:$0x3F92];
	_ =	swait.ge [sflag:s4], $0x0  }
0x19: {  	s7 =	sld [smem:$0x3F93]  }
0x1a: {  	s8 =	sadd.s32 $0xFFFFE003, lr  }
0x1b: {  	s9 =	sadd.s32 $0xFFFFFEF7, lr;
	s5 =	simm.s32 $0xFFFFFFFF;
	p2 =	slt.u32 s8, $0xFFFFF086  }
0x1c: {  	p1 =	slt.u32 s9, $0xF7A;
	s5 =	simm.s32 @!p2 $0x0  }
0x1d: {  	s5 =	simm.s32 @p1 $0x1;
	p0 =	seq.s32 s7, s2  }
0x1e: {  	s7 =	smul.u32 @!p0 $0xF7A, s2;
	p2 =	seq.s32 @!p0 s5, $0x0  }
0x1f: {  	s9 =	smul.u32 $0xF7A, s1;
	s8 =	simm.s32 @!p0 $0x1BF5;
	p2 =	por !p2, p0  }
0x20: {  	[sflag:s8] =	ssyncset.s32 @!p0 $0xFFFFF086;
	s6 =	sadd.s32 @!p0 s3, s7;
	s7 =	simm.s32 @!p0 $0x108  }
0x21: {  	s3 =	sadd.s32 s3, s9;
	s6 =	sadd.s32 @!p0 $0x88, s6;
	s7 =	simm.s32 @p2 $0x1082  }
0x22: {  	[simem:s7], [sflag:s8] =	dma.local @!p0 [hbm:s6], $0xF7A  }
0x23: {  	s9 =	sor.u32 $0xD0000000, s2;
	s6 =	simm.s32 $0x108;
	_ =	swait.ge @!p0 [sflag:s8], $0x0  }
0x24: {  	s3 =	sadd.s32 $0x88, s3;
	s6 =	simm.s32 @!p1 $0x1082;
	[sflag:s4] =	ssyncset.s32 $0xFFFFF086  }
0x25: {  	[simem:s6], [sflag:s4] =	dma.local [hbm:s3], $0xF7A  }
0x26: {  	[smem:$0x3F93] =	sst s1;
	(tag) =	ssettag s2;
	_ =	strace s9  }
0x27: {  	s1 =	sld [smem:$0x3FA3]  }
0x28: {  	s2 =	sld [smem:$0x3FA4]  }
0x29: {  	s4 =	sld [smem:$0x3FA6]  }
0x2a: {  	p0 =	seq.s32 s5, $0x0;
	s5 =	sld [smem:$0x3FA7]  }
0x2b: {  	s6 =	sld [smem:$0x3FA8]  }
0x2c: {  	s7 =	sld [smem:$0x3FA9]  }
0x2d: {  	s3 =	simm.s32 $0x108;
	s8 =	sld [smem:$0x3FAA]  }
0x2e: {  	s3 =	simm.s32 @!p0 $0x1082;
	s9 =	sld [smem:$0x3FAB]  }
0x2f: {  	lr =	sadd.s32 s0, s3;
	s0 =	sld [smem:$0x3FA2]  }
0x30: {  	s3 =	sld [smem:$0x3FA5]  }
0x31: {  	[smem:$0x3FAE] =	sst s10  }
0x32: {  	s10 =	sld [smem:$0x3FAC];
	_ =	sdelay $0x3  }
0x33: {  	p0 =	seq.s32 s10, $0x1;
	s10 =	sld [smem:$0x3FAE];
	_ =	sdelay $0x3  }
0x34: {  	[smem:$0x3FAE] =	sst s10  }
0x35: {  	s10 =	sld [smem:$0x3FAD];
	_ =	sdelay $0x3  }
0x36: {  	p1 =	seq.s32 s10, $0x1;
	s10 =	sld [smem:$0x3FAE];
	_ =	sdelay $0x3  }
0x37: {  	[smem:$0x3FAE] =	sst s10  }
0x38: {  	s10 =	sld [smem:$0x3FAF]  }
0x39: {  	_ = 	snop;
	(pc) =	sbr.ind lr, $3  }
0x3a: {  	_ = 	snop  }
0x3b: {  	_ = 	snop  }
0x3c: {  	p2 =	seq.s32 s10, $0x1;
	s10 =	sld [smem:$0x3FAE]  }
0x3d: {  	_ =	shalt  }
0x3e: {  	_ =	shalt  }
0x3f: {  	_ =	shalt  }
0x40: {  	_ =	shalt  }
0x41: {  	_ =	shalt  }
0x42: {  	_ =	shalt  }
0x43: {  	_ =	shalt  }
0x44: {  	_ =	shalt  }
0x45: {  	_ =	shalt  }
0x46: {  	_ =	shalt  }
0x47: {  	_ =	shalt  }
0x48: {  	_ =	shalt  }
0x49: {  	_ =	shalt  }
0x4a: {  	_ =	shalt  }
0x4b: {  	_ =	shalt  }
0x4c: {  	_ =	shalt  }
0x4d: {  	_ =	shalt  }
0x4e: {  	_ =	shalt  }
0x4f: {  	_ =	shalt  }
0x50: {  	_ =	shalt  }
0x51: {  	_ =	shalt  }
0x52: {  	_ =	shalt  }
0x53: {  	_ =	shalt  }
0x54: {  	_ =	shalt  }
0x55: {  	_ =	shalt  }
0x56: {  	_ =	shalt  }
0x57: {  	_ =	shalt  }
0x58: {  	_ =	shalt  }
0x59: {  	_ =	shalt  }
0x5a: {  	_ =	shalt  }
0x5b: {  	_ =	shalt  }
0x5c: {  	_ =	shalt  }
0x5d: {  	_ =	shalt  }
0x5e: {  	_ =	shalt  }
0x5f: {  	_ =	shalt  }
0x60: {  	_ =	shalt  }
0x61: {  	_ =	shalt  }
0x62: {  	_ =	shalt  }
0x63: {  	_ =	shalt  }
0x64: {  	_ =	shalt  }
0x65: {  	_ =	shalt  }
0x66: {  	_ =	shalt  }
0x67: {  	_ =	shalt  }
0x68: {  	_ =	shalt  }
0x69: {  	_ =	shalt  }
0x6a: {  	_ =	shalt  }
0x6b: {  	_ =	shalt  }
0x6c: {  	_ =	shalt  }
0x6d: {  	_ =	shalt  }
0x6e: {  	_ =	shalt  }
0x6f: {  	_ =	shalt  }
0x70: {  	_ =	shalt  }
0x71: {  	_ =	shalt  }
0x72: {  	_ =	shalt  }
0x73: {  	_ =	shalt  }
0x74: {  	_ =	shalt  }
0x75: {  	_ =	shalt  }
0x76: {  	_ =	shalt  }
0x77: {  	_ =	shalt  }
0x78: {  	_ =	shalt  }
0x79: {  	_ =	shalt  }
0x7a: {  	_ =	shalt  }
0x7b: {  	_ =	shalt  }
0x7c: {  	_ =	shalt  }
0x7d: {  	_ =	shalt  }
0x7e: {  	_ =	shalt  }
0x7f: {  	_ =	shalt  }
0x80: {  	_ =	shalt  }
0x81: {  	_ =	shalt  }
0x82: {  	_ =	shalt  }
0x83: {  	_ =	shalt  }
0x84: {  	_ =	shalt  }
0x85: {  	_ =	shalt  }
0x86: {  	_ =	shalt  }
0x87: {  	_ =	shalt  }
.Lfunc_end0:
.L_simem_size_0:
called_computation_lowered:
.L_overlay_start_0:
0x88: {  	s2 =	sld [smem:$0x3FD9]  }
0x89: {  	s3 =	sld [smem:$0x3FFE];
	_ =	sdelay $0x1  }
0x8a: {  	s1 =	srdreg.scid  }
0x8b: {  	s0 =	sand.u32 $0x1, s1  }
0x8c: {  	s14 =	sshll.u32 s0, $0xA;
	s2 =	sadd.s32 s3, s2  }
0x8d: {  	s2 =	sadd.s32 s2, s14  }
0x8e: {  	[smem:$0x3FBA] =	sst s2  }
0x8f: {  	_ = 	snop  }
0x90: {  	s2 =	sld [smem:$0x3FD0];
	_ =	sdelay $0x2  }
0x91: {  	s15 =	simm.s32 $0xA;
	s4 =	simm.s32 $0x10  }
0x92: {  	[smem:s4], [sflag:s15] =	dma.local [hbm:s2], $0x1  }
0x93: {  	_ =	swait.eq [sflag:s15], $0x1  }
0x94: {  	[sflag:s15] =	ssyncset.done $0x0  }
0x95: {  	[sflag:s15] =	ssyncadd.s32 $0xFFFFFFFF  }
0x96: {  	s16 =	sld [smem:$0x10];
	(tm) =	ssettm $0x1  }
0x97: {  	s17 =	sld [smem:$0x3FFB];
	_ =	sdelay $0x3  }
0x98: {  	_ =	strace s17  }
0x99: {  	s3 =	sld [smem:$0x3FFC];
	_ =	sdelay $0x3  }
0x9a: {  	_ =	strace s3  }
0x9b: {  	s3 =	sld [smem:$0x3FFD];
	_ =	sdelay $0x3  }
0x9c: {  	_ =	strace s3  }
0x9d: {  	_ =	strace $0x8FFFFFFF  }
0x9e: {  	s18 =	sld [smem:$0x3FDB];
	_ =	sdelay $0x1  }
0x9f: {  	s19 =	simm.s32 $_scs_section_size  }
0xa0: {  	s5 =	simm.s32 $_size__tile_overlayer_lowered;
	s6 =	simm.s32 $_tile_overlayer_lowered  }
0xa1: {  	s22 =	simm.s32 $0x1BFF;
	s21 =	sshll.u32 s6, $0x1;
	s3 =	sadd.s32 s19, s18  }
0xa2: {  	s7 =	simm.s32 $0x0;
	s20 =	sshll.u32 s5, $0x1;
	s5 =	sadd.s32 s21, s3  }
0xa3: {  	[timem:s7], [sflag:s22] =	dma.local [hbm:s5], s20  }
0xa4: {  	_ =	swait.ge [sflag:s22], s20  }
0xa5: {  	s4 =	ssub.s32 $0x0, s20;
	[sflag:s22] =	ssyncset.done $0x0  }
0xa6: {  	[sflag:s22] =	ssyncadd.s32 s4;
	_ =	sdelay $0x1  }
0xa7: {  	s23 =	simm.s32 $0x1B8B  }
0xa8: {  	_ =	swait.ge [sflag:s23], $0x1  }
0xa9: {  	[sflag:s23] =	ssyncset.done $0x0  }
0xaa: {  	s25 =	simm.s32 $0x1B8E;
	s24 =	sld [smem:$0x3FFE];
	[sflag:s23] =	ssyncadd.s32 $0xFFFFFFFF  }
0xab: {  	s26 =	simm.s32 $execute0_lowered;
	[smem:$0x3FD2] =	sst s25  }
0xac: {  	s5 =	sshll.u32 s26, $0x1;
	_ =	strace $0x80000046;
	[dreg:$0x1] =	wrdreg $0xFFFFFFFF  }
0xad: {  	s28 =	simm.s32 $_size_execute0_lowered;
	s3 =	sadd.s32 s3, s5;
	[dreg:$0x0] =	wrdreg $0x0  }
0xae: {  	s5 =	sshll.u32 s28, $0x1;
	[dreg:$0x2] =	wrdreg s3  }
0xaf: {  	[dreg:$0x3] =	wrdreg s5  }
0xb0: {  	[dreg:$0x4] =	wrdreg $0xC0  }
0xb1: {  	_ =	task [dreg:s7], $0x5FFFF  }
0xb2: {  	[dreg:$0x1] =	wrdreg $0xFFFFFFFF  }
0xb3: {  	[dreg:$0x0] =	wrdreg $0x60  }
0xb4: {  	[dreg:$0x2] =	wrdreg s16  }
0xb5: {  	[dreg:$0x3] =	wrdreg s24  }
0xb6: {  	[dreg:$0x4] =	wrdreg $0x9  }
0xb7: {  	_ =	task.clear_ibuf [dreg:s7], $0x5FFFF;
	_ =	strace $0x90000046  }
0xb8: {  	s29 =	simm.s32 $0x9;
	_ =	strace $0x80000048  }
0xb9: {  	_ =	swait.ge [sflag:s29], $0x1  }
0xba: {  	[sflag:s29] =	ssyncadd.s32 $0xFFFFFFFF  }
0xbb: {  	_ =	strace $0x90000048  }
0xbc: {  	_ =	sfence  }
0xbd: {  	s30 =	sld [smem:$0x0];
	_ =	sdelay $0x2  }
0xbe: {  	s31 =	sshll.u32 s1, $0xD;
	s1 =	sshrl.u32 s1, $0x2  }
0xbf: {  	s3 =	sand.u32 $0x4000, s31;
	s1 =	sadd.s32 s1, s30  }
0xc0: {  	s0 =	sor.u32 s3, s0;
	s1 =	sshll.u32 s1, $0x11  }
0xc1: {  	s0 =	sor.u32 s1, s0  }
0xc2: {  	s0 =	sadd.s32 $0x8F2B, s0  }
0xc3: {  	[sflag:s0] =	ssyncadd.remote.s32 $0x1  }
0xc4: {  	_ =	sfence.sel $0xFFFF  }
0xc5: {  	[dreg:$0x0] =	wrdreg $0xFFFFFFFF;
	(pc) =	sbr.abs _section_cstart, $3  }
0xc6: {  	[dreg:$0x1] =	wrdreg $0xFFFFFFFF  }
0xc7: {  	_ =	task.clear_ibuf [dreg:s7], $0x2FFFF;
	_ =	strace $0x9FFFFFFF  }
0xc8: {  	(tm) =	ssettm $0x7FFFFFFF  }
0xc9: {  	_ =	shalt  }
tec
execute0_lowered:
.L_overlay_start_1:
0x0: {  	(tag) =	ssettag $0x1  }
0x1: {  	s1 =	srdreg.scid;
	s0 =	stileid.u32  }
0x2: {  	s29 =	sand.u32 $0x1, s1;
	s31 =	sshll.u32 s0, $0x1  }
0x3: {  	s21 =	sor.u32 s29, s31  }
0x4: {  	s2 =	rddreg [dreg:$0x0];
	s4 =	smul.u32 $0x62, s21  }
0x5: {  	s20 =	rddreg [dreg:$0x1];
	s3 =	simm.s32 $0x0  }
0x6: {  	s5 =	simm.s32 $0x3;
	[smem:$0x7FF] =	sst s3;
	s4 =	sadd.s32 s4, s20  }
0x7: {  	s1 =	rddreg [dreg:$0x2];
	_ =	strace $0x80000047;
	s4 =	sadd.s32 $0x1A00, s4  }
0x8: {  	[tilespmem:s3], [sflag:$0x3] =	stream.linear.gather [hbm4b:s4+s3], $0x310, $0x38;
	[tilespmem:$0x6510] =	vst v63  }
0x9: {  	_ =	swait.ge [sflag:s5], $0x310  }
0xa: {  	[sflag:s5] =	ssyncset.done $0x0  }
0xb: {  	s6 =	simm.s32 $0x70;
	s7 =	simm.s32 $0x310;
	[sflag:s5] =	ssyncadd.s32 $0xFFFFFCF0  }
0xc: {  	[tilespmem:s7], [sflag:$0x1] =	stream.indirect.gather [hbm4b:s2+s6], $0x20, s3, s6, $0xb8;
	[tilespmem:$0x6510] =	vst v63  }
0xd: {  	s8 =	simm.s32 $0x1110  }
0xe: {  	[tilespmem:s8], [sflag:$0x1] =	stream.indirect.gather [hbm4b:s2+s6], $0x20, s6, s6, $0xb8;
	[tilespmem:$0x6510] =	vst v63  }
0xf: {  	s9 =	simm.s32 $0xE0;
	s10 =	simm.s32 $0x1F10  }
0x10: {  	[tilespmem:s10], [sflag:$0x1] =	stream.indirect.gather [hbm4b:s2+s6], $0x20, s9, s6, $0xb8;
	[tilespmem:$0x6510] =	vst v63  }
0x11: {  	s11 =	simm.s32 $0x150;
	s12 =	simm.s32 $0x2D10  }
0x12: {  	[tilespmem:s12], [sflag:$0x1] =	stream.indirect.gather [hbm4b:s2+s6], $0x20, s11, s6, $0xb8;
	[tilespmem:$0x6510] =	vst v63  }
0x13: {  	s13 =	simm.s32 $0x1C0;
	s14 =	simm.s32 $0x3B10  }
0x14: {  	[tilespmem:s14], [sflag:$0x1] =	stream.indirect.gather [hbm4b:s2+s6], $0x20, s13, s6, $0xb8;
	[tilespmem:$0x6510] =	vst v63  }
0x15: {  	s15 =	simm.s32 $0x230;
	s16 =	simm.s32 $0x4910  }
0x16: {  	[tilespmem:s16], [sflag:$0x1] =	stream.indirect.gather [hbm4b:s2+s6], $0x20, s15, s6, $0xb8;
	[tilespmem:$0x6510] =	vst v63  }
0x17: {  	s17 =	simm.s32 $0x2A0;
	s18 =	simm.s32 $0x5710;
	s19 =	simm.s32 $0x1  }
0x18: {  	[tilespmem:s18], [sflag:$0x1] =	stream.indirect.gather [hbm4b:s2+s6], $0x20, s17, s6, $0xb8;
	[tilespmem:$0x6510] =	vst v63  }
0x19: {  	s22 =	smul.u32 $0xC40, s21;
	_ =	swait.ge [sflag:s19], $0xE00  }
0x1a: {  	s23 =	sadd.s32 $0x2800, s20;
	[sflag:s19] =	ssyncset.done $0x0  }
0x1b: {  	s21 =	smul.u32 $0x6200, s21;
	s20 =	sadd.s32 s23, s22;
	[sflag:s19] =	ssyncadd.s32 $0xFFFFF200  }
0x1c: {  	[hbm4b:s20+s3] =	stream.linear.scatter [tilespmem:s7], [sflag:$0x2], $0xE00, $0x38;
	[tilespmem:$0x6510] =	vst v63  }
0x1d: {  	s21 =	sshrl.u32 s21, $0x3;
	_ =	swait.ge [sflag:s19], $0xE00  }
0x1e: {  	s26 =	sadd.s32 s23, s21;
	[sflag:s19] =	ssyncset.done $0x0  }
0x1f: {  	s21 =	sadd.s32 $0x1C0, s26;
	[sflag:s19] =	ssyncadd.s32 $0xFFFFF200  }
0x20: {  	[hbm4b:s21+s3] =	stream.linear.scatter [tilespmem:s8], [sflag:$0x2], $0xE00, $0x38;
	[tilespmem:$0x6510] =	vst v63  }
0x21: {  	_ =	swait.ge [sflag:s19], $0xE00  }
0x22: {  	[sflag:s19] =	ssyncset.done $0x0  }
0x23: {  	s22 =	sadd.s32 $0x380, s26;
	[sflag:s19] =	ssyncadd.s32 $0xFFFFF200  }
0x24: {  	[hbm4b:s22+s3] =	stream.linear.scatter [tilespmem:s10], [sflag:$0x2], $0xE00, $0x38;
	[tilespmem:$0x6510] =	vst v63  }
0x25: {  	_ =	swait.ge [sflag:s19], $0xE00  }
0x26: {  	[sflag:s19] =	ssyncset.done $0x0  }
0x27: {  	s23 =	sadd.s32 $0x540, s26;
	[sflag:s19] =	ssyncadd.s32 $0xFFFFF200  }
0x28: {  	[hbm4b:s23+s3] =	stream.linear.scatter [tilespmem:s12], [sflag:$0x2], $0xE00, $0x38;
	[tilespmem:$0x6510] =	vst v63  }
0x29: {  	_ =	swait.ge [sflag:s19], $0xE00  }
0x2a: {  	[sflag:s19] =	ssyncset.done $0x0  }
0x2b: {  	s24 =	sadd.s32 $0x700, s26;
	[sflag:s19] =	ssyncadd.s32 $0xFFFFF200  }
0x2c: {  	[hbm4b:s24+s3] =	stream.linear.scatter [tilespmem:s14], [sflag:$0x2], $0xE00, $0x38;
	[tilespmem:$0x6510] =	vst v63  }
0x2d: {  	_ =	swait.ge [sflag:s19], $0xE00  }
0x2e: {  	[sflag:s19] =	ssyncset.done $0x0  }
0x2f: {  	s25 =	sadd.s32 $0x8C0, s26;
	[sflag:s19] =	ssyncadd.s32 $0xFFFFF200  }
0x30: {  	[hbm4b:s25+s3] =	stream.linear.scatter [tilespmem:s16], [sflag:$0x2], $0xE00, $0x38;
	[tilespmem:$0x6510] =	vst v63  }
0x31: {  	_ =	swait.ge [sflag:s19], $0xE00  }
0x32: {  	[sflag:s19] =	ssyncset.done $0x0  }
0x33: {  	s28 =	simm.s32 $0x2;
	s26 =	sadd.s32 $0xA80, s26;
	[sflag:s19] =	ssyncadd.s32 $0xFFFFF200  }
0x34: {  	[hbm4b:s26+s3] =	stream.linear.scatter [tilespmem:s18], [sflag:$0x2], $0xE00, $0x38;
	[tilespmem:$0x6510] =	vst v63  }
0x35: {  	_ =	swait.ge [sflag:s28], $0xE00  }
0x36: {  	[sflag:s28] =	ssyncset.done $0x0  }
0x37: {  	[sflag:s28] =	ssyncadd.s32 $0xFFFFF200  }
0x38: {  	_ =	swait.ge [sflag:s28], $0xE00  }
0x39: {  	[sflag:s28] =	ssyncset.done $0x0  }
0x3a: {  	[sflag:s28] =	ssyncadd.s32 $0xFFFFF200  }
0x3b: {  	_ =	swait.ge [sflag:s28], $0xE00  }
0x3c: {  	[sflag:s28] =	ssyncset.done $0x0  }
0x3d: {  	[sflag:s28] =	ssyncadd.s32 $0xFFFFF200  }
0x3e: {  	_ =	swait.ge [sflag:s28], $0xE00  }
0x3f: {  	s29 =	ssub.s32 $0x2, s29;
	[sflag:s28] =	ssyncset.done $0x0  }
0x40: {  	s30 =	sshrl.u32 s29, $0x1;
	[sflag:s28] =	ssyncadd.s32 $0xFFFFF200  }
0x41: {  	s29 =	ssub.s32 s29, s30;
	_ =	swait.ge [sflag:s28], $0xE00  }
0x42: {  	s29 =	smax.u32 s29, $0x1;
	[sflag:s28] =	ssyncset.done $0x0  }
0x43: {  	p0 =	sne.s32 s29, $0x1;
	[sflag:s28] =	ssyncadd.s32 $0xFFFFF200  }
.Ltmp0:
0x44: {  	_ =	swait.ge [sflag:s28], $0xE00;
	(pc) =	sbr.rel @!p0 .LBB2_2-.Ltmp0, $4  }
0x45: {  	[sflag:s28] =	ssyncset.done $0x0  }
0x46: {  	[sflag:s28] =	ssyncadd.s32 $0xFFFFF200  }
0x47: {  	_ =	swait.ge [sflag:s28], $0xE00  }
0x48: {  	s29 =	sadd.s32 $0xFFFFFFFF, s29;
	[sflag:s28] =	ssyncset.done $0x0  }
.LBB2_1:
0x49: {  	p0 =	sne.s32 s29, $0x1;
	s29 =	sadd.s32 $0xFFFFFFFF, s29;
	[sflag:s28] =	ssyncadd.s32 $0xFFFFF200  }
0x4a: {  	[tilespmem:s3], [sflag:$0x3] =	stream.linear.gather [hbm4b:s4+s3], $0x310, $0x38;
	[tilespmem:$0x6510] =	vst v63  }
0x4b: {  	_ =	swait.ge [sflag:s5], $0x310  }
0x4c: {  	[sflag:s5] =	ssyncset.done $0x0  }
0x4d: {  	[sflag:s5] =	ssyncadd.s32 $0xFFFFFCF0  }
0x4e: {  	[tilespmem:s7], [sflag:$0x1] =	stream.indirect.gather [hbm4b:s2+s6], $0x20, s3, s6, $0xb8;
	[tilespmem:$0x6510] =	vst v63  }
0x4f: {  	_ = 	snop  }
0x50: {  	[tilespmem:s8], [sflag:$0x1] =	stream.indirect.gather [hbm4b:s2+s6], $0x20, s6, s6, $0xb8;
	[tilespmem:$0x6510] =	vst v63  }
0x51: {  	_ = 	snop  }
0x52: {  	[tilespmem:s10], [sflag:$0x1] =	stream.indirect.gather [hbm4b:s2+s6], $0x20, s9, s6, $0xb8;
	[tilespmem:$0x6510] =	vst v63  }
0x53: {  	_ = 	snop  }
0x54: {  	[tilespmem:s12], [sflag:$0x1] =	stream.indirect.gather [hbm4b:s2+s6], $0x20, s11, s6, $0xb8;
	[tilespmem:$0x6510] =	vst v63  }
0x55: {  	_ = 	snop  }
0x56: {  	[tilespmem:s14], [sflag:$0x1] =	stream.indirect.gather [hbm4b:s2+s6], $0x20, s13, s6, $0xb8;
	[tilespmem:$0x6510] =	vst v63  }
0x57: {  	_ = 	snop  }
0x58: {  	[tilespmem:s16], [sflag:$0x1] =	stream.indirect.gather [hbm4b:s2+s6], $0x20, s15, s6, $0xb8;
	[tilespmem:$0x6510] =	vst v63  }
0x59: {  	_ = 	snop  }
0x5a: {  	[tilespmem:s18], [sflag:$0x1] =	stream.indirect.gather [hbm4b:s2+s6], $0x20, s17, s6, $0xb8;
	[tilespmem:$0x6510] =	vst v63  }
0x5b: {  	_ =	swait.ge [sflag:s19], $0xE00  }
0x5c: {  	[sflag:s19] =	ssyncset.done $0x0  }
0x5d: {  	[sflag:s19] =	ssyncadd.s32 $0xFFFFF200  }
0x5e: {  	[hbm4b:s20+s3] =	stream.linear.scatter [tilespmem:s7], [sflag:$0x2], $0xE00, $0x38;
	[tilespmem:$0x6510] =	vst v63  }
0x5f: {  	_ =	swait.ge [sflag:s19], $0xE00  }
0x60: {  	[sflag:s19] =	ssyncset.done $0x0  }
0x61: {  	[sflag:s19] =	ssyncadd.s32 $0xFFFFF200  }
0x62: {  	[hbm4b:s21+s3] =	stream.linear.scatter [tilespmem:s8], [sflag:$0x2], $0xE00, $0x38;
	[tilespmem:$0x6510] =	vst v63  }
0x63: {  	_ =	swait.ge [sflag:s19], $0xE00  }
0x64: {  	[sflag:s19] =	ssyncset.done $0x0  }
0x65: {  	[sflag:s19] =	ssyncadd.s32 $0xFFFFF200  }
0x66: {  	[hbm4b:s22+s3] =	stream.linear.scatter [tilespmem:s10], [sflag:$0x2], $0xE00, $0x38;
	[tilespmem:$0x6510] =	vst v63  }
0x67: {  	_ =	swait.ge [sflag:s19], $0xE00  }
0x68: {  	[sflag:s19] =	ssyncset.done $0x0  }
0x69: {  	[sflag:s19] =	ssyncadd.s32 $0xFFFFF200  }
0x6a: {  	[hbm4b:s23+s3] =	stream.linear.scatter [tilespmem:s12], [sflag:$0x2], $0xE00, $0x38;
	[tilespmem:$0x6510] =	vst v63  }
0x6b: {  	_ =	swait.ge [sflag:s19], $0xE00  }
0x6c: {  	[sflag:s19] =	ssyncset.done $0x0  }
0x6d: {  	[sflag:s19] =	ssyncadd.s32 $0xFFFFF200  }
0x6e: {  	[hbm4b:s24+s3] =	stream.linear.scatter [tilespmem:s14], [sflag:$0x2], $0xE00, $0x38;
	[tilespmem:$0x6510] =	vst v63  }
0x6f: {  	_ =	swait.ge [sflag:s19], $0xE00  }
0x70: {  	[sflag:s19] =	ssyncset.done $0x0  }
0x71: {  	[sflag:s19] =	ssyncadd.s32 $0xFFFFF200  }
0x72: {  	[hbm4b:s25+s3] =	stream.linear.scatter [tilespmem:s16], [sflag:$0x2], $0xE00, $0x38;
	[tilespmem:$0x6510] =	vst v63  }
0x73: {  	_ =	swait.ge [sflag:s19], $0xE00  }
0x74: {  	[sflag:s19] =	ssyncset.done $0x0  }
0x75: {  	[sflag:s19] =	ssyncadd.s32 $0xFFFFF200  }
0x76: {  	[hbm4b:s26+s3] =	stream.linear.scatter [tilespmem:s18], [sflag:$0x2], $0xE00, $0x38;
	[tilespmem:$0x6510] =	vst v63  }
0x77: {  	_ =	swait.ge [sflag:s28], $0xE00  }
0x78: {  	[sflag:s28] =	ssyncset.done $0x0  }
0x79: {  	[sflag:s28] =	ssyncadd.s32 $0xFFFFF200  }
0x7a: {  	_ =	swait.ge [sflag:s28], $0xE00  }
0x7b: {  	[sflag:s28] =	ssyncset.done $0x0  }
0x7c: {  	[sflag:s28] =	ssyncadd.s32 $0xFFFFF200  }
0x7d: {  	_ =	swait.ge [sflag:s28], $0xE00  }
0x7e: {  	[sflag:s28] =	ssyncset.done $0x0  }
0x7f: {  	[sflag:s28] =	ssyncadd.s32 $0xFFFFF200  }
0x80: {  	_ =	swait.ge [sflag:s28], $0xE00  }
0x81: {  	[sflag:s28] =	ssyncset.done $0x0  }
0x82: {  	[sflag:s28] =	ssyncadd.s32 $0xFFFFF200  }
0x83: {  	_ =	swait.ge [sflag:s28], $0xE00  }
0x84: {  	[sflag:s28] =	ssyncset.done $0x0  }
0x85: {  	[sflag:s28] =	ssyncadd.s32 $0xFFFFF200  }
.Ltmp1:
0x86: {  	_ =	swait.ge [sflag:s28], $0xE00;
	(pc) =	sbr.rel @p0 .LBB2_1-.Ltmp1, $4  }
0x87: {  	[sflag:s28] =	ssyncset.done $0x0  }
0x88: {  	[sflag:s28] =	ssyncadd.s32 $0xFFFFF200  }
0x89: {  	_ =	swait.ge [sflag:s28], $0xE00  }
0x8a: {  	[sflag:s28] =	ssyncset.done $0x0  }
.LBB2_2:
0x8b: {  	[sflag:s28] =	ssyncadd.s32 $0xFFFFF200  }
0x8c: {  	_ =	sfence.sel $0x180000  }
0x8d: {  	[bflag:$0x0] =	sbarrier.arrive $0xFFFF  }
0x8e: {  	p0 =	sne.s32 s0, $0x0;
	_ =	strace $0x90000047  }
0x8f: {  	s0 =	sadd.s32 @!p0 $0x100000, s1;
	[bflag:$0x2] =	sbarrier.arrive $0xFFFF  }
0x90: {  	[sflag:s0] =	ssyncadd.tile.s32 @!p0 $0x1;
	_ =	shalt  }
.Lfunc_end2:
_tile_overlayer_lowered:
.L_overlay_start_2:
0x91: {  	(tag) =	ssettag $0x2  }
0x92: {  	s0 =	rddreg [dreg:$0x0];
	s2 =	stileid.u32  }
0x93: {  	s1 =	rddreg [dreg:$0x1];
	p0 =	sne.s32 s2, $0x0  }
0x94: {  	s3 =	rddreg [dreg:$0x2];
	[bflag:$0x3] =	sbarrier.arrive $0xFFFF;
	s2 =	simm.s32 @!p0 $0x1C03  }
0x95: {  	[timem:s3], [sflag:s2] =	dma.local @!p0 [hbm:s0], s1  }
0x96: {  	s0 =	simm.s32 @!p0 $0x3  }
0x97: {  	_ =	swait.ge @!p0 [sflag:s0], s1  }
0x98: {  	s1 =	ssub.s32 @!p0 $0x0, s1;
	[sflag:s0] =	ssyncset.done @!p0 $0x0  }
0x99: {  	[sflag:s0] =	ssyncadd.s32 @!p0 s1  }
0x9a: {  	[bflag:$0x3] =	sbarrier.arrive $0xFFFF  }
0x9b: {  	_ =	shalt  }

</sc_bundles>
